<compile_context>
chip_gen: v7x
topology: tpu7x:2x2x1
jax: 0.10.2.dev20260603
libtpu: 0.0.44.dev20260713+nightly
codegen_flags: <defaults>
</compile_context>

<pallas_src>
import functools
import jax
import jax.numpy as jnp
from jax import lax
from jax.experimental import pallas as pl
from jax.experimental.pallas import tpu as pltpu
from jax.experimental.pallas import tpu_sc as plsc



def _vq_body(z_ref, e_ref, zsq_ref, esq_ref, bi_ref, bd_ref, *, kb):
    k = pl.program_id(1)
    zb = z_ref[...]
    eb = e_ref[...]
    zsq = zsq_ref[0, 0, :]
    esq = esq_ref[0, 0, :]
    s = (esq[:, None] + zsq[None, :]) - 2.0 * lax.dot_general(
        eb.astype(jnp.bfloat16), zb.astype(jnp.bfloat16),
        (((1,), (1,)), ((), ())), preferred_element_type=jnp.float32)
    lmin = jnp.min(s, axis=0)
    iota = lax.broadcasted_iota(jnp.int32, s.shape, 0)
    larg = jnp.min(jnp.where(s == lmin[None, :], iota, jnp.int32(2 ** 30)),
                   axis=0) + k * kb

    @pl.when(k == 0)
    def _init():
        bd_ref[...] = jnp.full(bd_ref.shape, 3.4e38, jnp.float32)
        bi_ref[...] = jnp.zeros(bi_ref.shape, jnp.int32)

    prev_d = bd_ref[0, 0, :]
    prev_i = bi_ref[0, 0, :]
    upd = lmin < prev_d
    bd_ref[...] = jnp.where(upd, lmin, prev_d).reshape(bd_ref.shape)
    bi_ref[...] = jnp.where(upd, larg, prev_i).reshape(bi_ref.shape)


def _vq_argmin(zf, emb):
    n, c = zf.shape
    k = emb.shape[0]
    p, kb = 512, 512
    npb, nkb = n // p, k // kb
    zsq = jnp.sum(zf ** 2, axis=1).reshape(npb, 1, p)
    esq = jnp.sum(emb ** 2, axis=1).reshape(nkb, 1, kb)
    bi, _ = pl.pallas_call(
        functools.partial(_vq_body, kb=kb),
        grid=(npb, nkb),
        in_specs=[pl.BlockSpec((p, c), lambda pi, ki: (pi, 0)),
                  pl.BlockSpec((kb, c), lambda pi, ki: (ki, 0)),
                  pl.BlockSpec((1, 1, p), lambda pi, ki: (pi, 0, 0)),
                  pl.BlockSpec((1, 1, kb), lambda pi, ki: (ki, 0, 0))],
        out_specs=[pl.BlockSpec((1, 1, p), lambda pi, ki: (pi, 0, 0)),
                   pl.BlockSpec((1, 1, p), lambda pi, ki: (pi, 0, 0))],
        out_shape=[jax.ShapeDtypeStruct((npb, 1, p), jnp.int32),
                   jax.ShapeDtypeStruct((npb, 1, p), jnp.float32)],
    )(zf, emb, zsq, esq)
    return bi.reshape(n)



def _sc_gather(table, idx):
    info = plsc.get_sparse_core_info()
    nc, ns = info.num_cores, info.num_subcores
    nw = nc * ns
    b = idx.shape[0]
    d = table.shape[1]
    bpw = b // nw
    mesh = plsc.VectorSubcoreMesh(core_axis_name="c", subcore_axis_name="s")

    @functools.partial(
        pl.kernel, mesh=mesh,
        out_type=jax.ShapeDtypeStruct((b, d), jnp.float32),
        scratch_types=[pltpu.VMEM((bpw,), jnp.int32),
                       pltpu.VMEM((bpw, d), jnp.float32),
                       pltpu.SemaphoreType.DMA],
    )
    def gk(table_hbm, idx_hbm, out_hbm, idx_v, rows_v, sem):
        wid = lax.axis_index("s") * nc + lax.axis_index("c")
        base = wid * bpw
        pltpu.sync_copy(idx_hbm.at[pl.ds(base, bpw)], idx_v)
        pltpu.async_copy(table_hbm.at[idx_v], rows_v, sem).wait()
        pltpu.sync_copy(rows_v, out_hbm.at[pl.ds(base, bpw)])

    return gk(table, idx)



def _mm_body(x_ref, w_ref, b_ref, o_ref):
    o_ref[...] = (jnp.dot(x_ref[...], w_ref[...],
                          preferred_element_type=jnp.float32) + b_ref[...])


def _mm_bias(x, w, bias):
    n, c = x.shape
    o = w.shape[1]
    p = 1024
    return pl.pallas_call(
        _mm_body,
        grid=(n // p,),
        in_specs=[pl.BlockSpec((p, c), lambda i: (i, 0)),
                  pl.BlockSpec((c, o), lambda i: (0, 0)),
                  pl.BlockSpec((1, o), lambda i: (0, 0))],
        out_specs=pl.BlockSpec((p, o), lambda i: (i, 0)),
        out_shape=jax.ShapeDtypeStruct((n, o), jnp.float32),
    )(x, w, bias.reshape(1, o))



def _conv_body(x_ref, w_ref, b_ref, o_ref, *, relu):
    _, th, wd, o = o_ref.shape
    c3 = w_ref.shape[1]
    xs = x_ref[0]
    cat = jnp.concatenate(
        [xs[:, 0:wd], xs[:, 1:wd + 1], xs[:, 2:wd + 2]], axis=2)
    m = th * wd
    acc = jnp.dot(cat[0:th].reshape(m, c3), w_ref[0],
                  preferred_element_type=jnp.float32)
    acc = acc + jnp.dot(cat[1:th + 1].reshape(m, c3), w_ref[1],
                        preferred_element_type=jnp.float32)
    acc = acc + jnp.dot(cat[2:th + 2].reshape(m, c3), w_ref[2],
                        preferred_element_type=jnp.float32)
    acc = acc + b_ref[...]
    if relu:
        acc = jnp.maximum(acc, 0.0)
    o_ref[...] = acc.reshape(1, th, wd, o)


def _conv3x3(x, w_oihw, bias, relu, th):
    bsz, h, w, cin = x.shape
    o = w_oihw.shape[0]
    wp = w + 8
    xp = jnp.pad(x, ((0, 0), (1, 1), (1, wp - w - 1), (0, 0)))
    wk = jnp.transpose(w_oihw, (2, 3, 1, 0)).reshape(3, 3 * cin, o)
    return pl.pallas_call(
        functools.partial(_conv_body, relu=relu),
        grid=(bsz, h // th),
        in_specs=[pl.BlockSpec((pl.Element(1), pl.Element(th + 2),
                                pl.Element(wp), pl.Element(cin)),
                               lambda bi, t: (bi, t * th, 0, 0)),
                  pl.BlockSpec((3, 3 * cin, o), lambda bi, t: (0, 0, 0)),
                  pl.BlockSpec((1, o), lambda bi, t: (0, 0))],
        out_specs=pl.BlockSpec((1, th, w, o), lambda bi, t: (bi, t, 0, 0)),
        out_shape=jax.ShapeDtypeStruct((bsz, h, w, o), jnp.float32),
    )(xp, wk, bias.reshape(1, o))


def _up2(x):
    return jnp.repeat(jnp.repeat(x, 2, axis=1), 2, axis=2)



def _upconv_body(x_ref, w_ref, b_ref, o_ref, *, relu):
    _, th2, wd2, o = o_ref.shape
    th, wd = th2 // 2, wd2 // 2
    c3 = w_ref.shape[1]
    c = c3 // 3
    xs = x_ref[0]
    mid = xs[1:th + 1]
    rep = jnp.concatenate(
        [xs[0:1],
         jnp.stack([mid, mid], axis=1).reshape(2 * th, xs.shape[1], c),
         xs[th + 1:th + 2]], axis=0)
    midc = rep[:, 1:wd + 1]
    repc = jnp.concatenate(
        [rep[:, 0:1],
         jnp.stack([midc, midc], axis=2).reshape(2 * th + 2, 2 * wd, c),
         rep[:, wd + 1:wd + 2]], axis=1)
    cat = jnp.concatenate(
        [repc[:, 0:wd2], repc[:, 1:wd2 + 1], repc[:, 2:wd2 + 2]], axis=2)
    m = th2 * wd2
    acc = jnp.dot(cat[0:th2].reshape(m, c3), w_ref[0],
                  preferred_element_type=jnp.float32)
    acc = acc + jnp.dot(cat[1:th2 + 1].reshape(m, c3), w_ref[1],
                        preferred_element_type=jnp.float32)
    acc = acc + jnp.dot(cat[2:th2 + 2].reshape(m, c3), w_ref[2],
                        preferred_element_type=jnp.float32)
    acc = acc + b_ref[...]
    if relu:
        acc = jnp.maximum(acc, 0.0)
    o_ref[...] = acc.reshape(1, th2, wd2, o)


def _upconv3x3(x, w_oihw, bias, relu, th):
    bsz, h, w, cin = x.shape
    o = w_oihw.shape[0]
    wp = w + 8
    xp = jnp.pad(x, ((0, 0), (1, 1), (1, wp - w - 1), (0, 0)))
    wk = jnp.transpose(w_oihw, (2, 3, 1, 0)).reshape(3, 3 * cin, o)
    return pl.pallas_call(
        functools.partial(_upconv_body, relu=relu),
        grid=(bsz, h // th),
        in_specs=[pl.BlockSpec((pl.Element(1), pl.Element(th + 2),
                                pl.Element(wp), pl.Element(cin)),
                               lambda bi, t: (bi, t * th, 0, 0)),
                  pl.BlockSpec((3, 3 * cin, o), lambda bi, t: (0, 0, 0)),
                  pl.BlockSpec((1, o), lambda bi, t: (0, 0))],
        out_specs=pl.BlockSpec((1, 2 * th, 2 * w, o),
                               lambda bi, t: (bi, t, 0, 0)),
        out_shape=jax.ShapeDtypeStruct((bsz, 2 * h, 2 * w, o), jnp.float32),
    )(xp, wk, bias.reshape(1, o))



def _upconv_out_body(x_ref, w3_ref, b3_ref, wo_ref, bo_ref, o_ref, *, nt):
    t = pl.program_id(1)
    _, th2, wd2, oo = o_ref.shape
    th, wd = th2 // 2, wd2 // 2
    c3 = w3_ref.shape[1]
    c = c3 // 3
    o3 = w3_ref.shape[2]
    xs = x_ref[0]
    rep = jnp.stack([xs, xs], axis=1).reshape(2 * th + 4, xs.shape[1], c)
    midc = rep[:, 1:wd + 1]
    repc = jnp.concatenate(
        [rep[:, 0:1],
         jnp.stack([midc, midc], axis=2).reshape(2 * th + 4, 2 * wd, c),
         rep[:, wd + 1:wd + 2]], axis=1)
    cat = jnp.concatenate(
        [repc[:, 0:wd2], repc[:, 1:wd2 + 1], repc[:, 2:wd2 + 2]], axis=2)
    m3 = (th2 + 2) * wd2
    h3 = jnp.dot(cat[0:th2 + 2].reshape(m3, c3), w3_ref[0],
                 preferred_element_type=jnp.float32)
    h3 = h3 + jnp.dot(cat[1:th2 + 3].reshape(m3, c3), w3_ref[1],
                      preferred_element_type=jnp.float32)
    h3 = h3 + jnp.dot(cat[2:th2 + 4].reshape(m3, c3), w3_ref[2],
                      preferred_element_type=jnp.float32)
    h3 = jnp.maximum(h3 + b3_ref[...], 0.0).reshape(th2 + 2, wd2, o3)
    ridx = lax.broadcasted_iota(jnp.int32, (th2 + 2, 1, 1), 0)
    edge = ((ridx == 0) & (t == 0)) | ((ridx == th2 + 1) & (t == nt - 1))
    h3 = jnp.where(edge, 0.0, h3)
    zc = jnp.zeros((th2 + 2, 1, o3), jnp.float32)
    h3p = jnp.concatenate([zc, h3, zc], axis=1)
    cato = jnp.concatenate(
        [h3p[:, 0:wd2], h3p[:, 1:wd2 + 1], h3p[:, 2:wd2 + 2]], axis=2)
    mo = th2 * wd2
    acc = jnp.dot(cato[0:th2].reshape(mo, 3 * o3), wo_ref[0],
                  preferred_element_type=jnp.float32)
    acc = acc + jnp.dot(cato[1:th2 + 1].reshape(mo, 3 * o3), wo_ref[1],
                        preferred_element_type=jnp.float32)
    acc = acc + jnp.dot(cato[2:th2 + 2].reshape(mo, 3 * o3), wo_ref[2],
                        preferred_element_type=jnp.float32)
    acc = acc + bo_ref[...]
    o_ref[...] = acc.reshape(1, th2, wd2, oo)


def _upconv_out(x, w3_oihw, b3_, wo_oihw, bo_, th):
    bsz, h, w, cin = x.shape
    o3 = w3_oihw.shape[0]
    oo = wo_oihw.shape[0]
    wp = w + 8
    xp = jnp.pad(x, ((0, 0), (1, 1), (1, wp - w - 1), (0, 0)))
    w3k = jnp.transpose(w3_oihw, (2, 3, 1, 0)).reshape(3, 3 * cin, o3)
    wok = jnp.transpose(wo_oihw, (2, 3, 1, 0)).reshape(3, 3 * o3, oo)
    nt = h // th
    return pl.pallas_call(
        functools.partial(_upconv_out_body, nt=nt),
        grid=(bsz, nt),
        in_specs=[pl.BlockSpec((pl.Element(1), pl.Element(th + 2),
                                pl.Element(wp), pl.Element(cin)),
                               lambda bi, t: (bi, t * th, 0, 0)),
                  pl.BlockSpec((3, 3 * cin, o3), lambda bi, t: (0, 0, 0)),
                  pl.BlockSpec((1, o3), lambda bi, t: (0, 0)),
                  pl.BlockSpec((3, 3 * o3, oo), lambda bi, t: (0, 0, 0)),
                  pl.BlockSpec((1, oo), lambda bi, t: (0, 0))],
        out_specs=pl.BlockSpec((1, 2 * th, 2 * w, oo),
                               lambda bi, t: (bi, t, 0, 0)),
        out_shape=jax.ShapeDtypeStruct((bsz, 2 * h, 2 * w, oo), jnp.float32),
    )(xp, w3k, b3_.reshape(1, o3), wok, bo_.reshape(1, oo))


def kernel(z, embedding_weight, pq_w, pq_b, w_in, b_in,
           w1, b1, w2, b2, w3, b3, w_out, b_out):
    bsz, c, h, w = z.shape
    zf = jnp.transpose(z, (0, 2, 3, 1)).reshape(-1, c)
    idx = _vq_argmin(zf, embedding_weight)
    zq = _sc_gather(embedding_weight, idx)
    quant = _mm_bias(zq, pq_w[:, :, 0, 0].T, pq_b)
    hh = quant.reshape(bsz, h, w, c)
    hh = _conv3x3(hh, w_in, b_in, relu=True, th=8)
    hh = _upconv3x3(hh, w1, b1, relu=True, th=8)
    hh = _upconv3x3(hh, w2, b2, relu=True, th=8)
    wo = jnp.pad(w_out, ((0, 5), (0, 0), (0, 0), (0, 0)))
    bo = jnp.pad(b_out, (0, 5))
    y = _upconv_out(hh, w3, b3, wo, bo, th=8)[..., :3]
    return jnp.transpose(y, (0, 3, 1, 2))

# --- scband reference (transcript-rebuilt; emitter-appended) ---
"""Pipeline reference for scband-decoder-wrapper-58317065945251 (READ-ONLY COPY).

The authoritative reference and input builder live on the scoring server;
editing this copy changes nothing except your own understanding.
"""

import jax, jax.numpy as jnp
import numpy as np


def _conv2d(x, w, b):
    y = jax.lax.conv_general_dilated(x, w, (1, 1), 'SAME',
                                     dimension_numbers=('NCHW', 'OIHW', 'NCHW'))
    return y + b[None, :, None, None]


def _up2(x):
    return jnp.repeat(jnp.repeat(x, 2, axis=2), 2, axis=3)


def setup_inputs(seed: int = 0) -> dict:
    key = jax.random.key(seed)
    ks = jax.random.split(key, 12)
    B, C, H, W = 2, 256, 32, 32
    K = 8192

    def w_init(k, shape, fan_in):
        return (jax.random.normal(k, shape, jnp.float32) / np.sqrt(fan_in)).astype(jnp.float32)

    return {
        'z': jax.random.normal(ks[0], (B, C, H, W), jnp.float32),
        'embedding_weight': jax.random.normal(ks[1], (K, C), jnp.float32) * 0.02,
        'pq_w': w_init(ks[2], (256, 256, 1, 1), 256),
        'pq_b': jnp.zeros((256,), jnp.float32),
        'w_in': w_init(ks[3], (256, 256, 3, 3), 256 * 9),
        'b_in': jnp.zeros((256,), jnp.float32),
        'w1': w_init(ks[4], (128, 256, 3, 3), 256 * 9),
        'b1': jnp.zeros((128,), jnp.float32),
        'w2': w_init(ks[5], (64, 128, 3, 3), 128 * 9),
        'b2': jnp.zeros((64,), jnp.float32),
        'w3': w_init(ks[6], (64, 64, 3, 3), 64 * 9),
        'b3': jnp.zeros((64,), jnp.float32),
        'w_out': w_init(ks[7], (3, 64, 3, 3), 64 * 9),
        'b_out': jnp.zeros((3,), jnp.float32),
    }


def reference(z, embedding_weight, pq_w, pq_b, w_in, b_in, w1, b1, w2, b2, w3, b3, w_out, b_out):
    B, C, H, W = z.shape
    # --- vector quantization: nearest codebook entry per spatial location ---
    z_perm = jnp.transpose(z, (0, 2, 3, 1)).reshape(-1, C)
    d = (jnp.sum(z_perm ** 2, axis=1, keepdims=True)
         + jnp.sum(embedding_weight ** 2, axis=1)
         - 2.0 * jnp.matmul(z_perm, embedding_weight.T))
    indices = jnp.argmin(d, axis=1)
    z_q = jnp.take(embedding_weight, indices, axis=0)
    z_q = jnp.transpose(z_q.reshape(B, H, W, C), (0, 3, 1, 2))
    # --- post-quant 1x1 conv ---
    quant = _conv2d(z_q, pq_w, pq_b)
    # --- decoder: conv_in + 3 upsample stages + conv_out -> RGB ---
    h = jax.nn.relu(_conv2d(quant, w_in, b_in))
    h = _up2(h)
    h = jax.nn.relu(_conv2d(h, w1, b1))
    h = _up2(h)
    h = jax.nn.relu(_conv2d(h, w2, b2))
    h = _up2(h)
    h = jax.nn.relu(_conv2d(h, w3, b3))
    return _conv2d(h, w_out, b_out)

if __name__ == "__main__":
    import jax
    _d = setup_inputs()
    print(jax.jit(kernel)(*tuple(_d.values())))

</pallas_src>

<mosaic_0001>
#map = affine_map<(d0, d1) -> (0, 0)>
#map1 = affine_map<(d0, d1) -> (0)>
module attributes {stable_mosaic.version = 14 : i64} {
  func.func @gk(%arg0: i32, %arg1: i32, %arg2: memref<8192x256xf32, #tpu.memory_space<hbm>>, %arg3: memref<2048xi32, #tpu.memory_space<hbm>>, %arg4: memref<2048x256xf32, #tpu.memory_space<hbm>>, %arg5: memref<64xi32, #tpu.memory_space<vmem>>, %arg6: memref<64x256xf32, #tpu.memory_space<vmem>>, %arg7: memref<!tpu.dma_semaphore, #tpu.memory_space<semaphore_mem>>) attributes {dimension_semantics = [#tpu.dimension_semantics<core_parallel>, #tpu.dimension_semantics<subcore_parallel>], iteration_bounds = array<i64: 2, 16>, scalar_prefetch = 0 : i64, scratch_operands = 3 : i64, tpu.core_type = #tpu.core_type<sc_vector_subcore>, window_params = [{transform_indices = #map}, {transform_indices = #map1}, {transform_indices = #map}]} {
    %mul3A = arith.constant 2 : i32
    %mul3A_0 = arith.muli %arg1, %mul3A : i32
    %add3A = arith.addi %mul3A_0, %arg0 : i32
    %mul3A_1 = arith.constant 64 : i32
    %mul3A_2 = arith.muli %add3A, %mul3A_1 : i32
    "tpu.region"() ({
      %run_scoped3A = tpu.sem_alloc : memref<!tpu.dma_semaphore, #tpu.memory_space<semaphore_mem>>
      %dma_start3A_7 = tpu.memref_slice %arg3[%mul3A_2] : memref<2048xi32, #tpu.memory_space<hbm>> -> memref<64xi32, #tpu.memory_space<hbm>>
      %dma_start3A_8 = tpu.memref_slice %arg3[%mul3A_2] : memref<2048xi32, #tpu.memory_space<hbm>> -> memref<64xi32, #tpu.memory_space<hbm>>
      tpu.enqueue_dma source(%dma_start3A_8 : memref<64xi32, #tpu.memory_space<hbm>>) target(%arg5 : memref<64xi32, #tpu.memory_space<vmem>>) target_semaphore(%run_scoped3A : memref<!tpu.dma_semaphore, #tpu.memory_space<semaphore_mem>>)
      %dma_wait3A_9 = tpu.memref_slice %arg3[%mul3A_2] : memref<2048xi32, #tpu.memory_space<hbm>> -> memref<64xi32, #tpu.memory_space<hbm>>
      %dma_wait3A_10 = tpu.memref_slice %arg3[%mul3A_2] : memref<2048xi32, #tpu.memory_space<hbm>> -> memref<64xi32, #tpu.memory_space<hbm>>
      tpu.wait_dma2 semaphore(%run_scoped3A : memref<!tpu.dma_semaphore, #tpu.memory_space<semaphore_mem>>) src(%dma_wait3A_10 : memref<64xi32, #tpu.memory_space<hbm>>) dst(%arg5 : memref<64xi32, #tpu.memory_space<vmem>>)
      tpu.yield
    }) : () -> ()
    %dma_start3A = arith.constant 0 : i32
    %dma_start3A_3 = arith.constant 0 : i32
    %dma_start3A_4 = tpu.memref_slice %arg2[%dma_start3A, %dma_start3A_3] : memref<8192x256xf32, #tpu.memory_space<hbm>> -> memref<8192x256xf32, #tpu.memory_space<hbm>>
    tpu.enqueue_indirect_dma source(%dma_start3A_4 : memref<8192x256xf32, #tpu.memory_space<hbm>>) target(%arg6 : memref<64x256xf32, #tpu.memory_space<vmem>>) offsets(%arg5 : memref<64xi32, #tpu.memory_space<vmem>>) semaphore(%arg7 : memref<!tpu.dma_semaphore, #tpu.memory_space<semaphore_mem>>)
    %dma_wait3A = arith.constant 0 : i32
    %dma_wait3A_5 = arith.constant 0 : i32
    %dma_wait3A_6 = tpu.memref_slice %arg2[%dma_wait3A, %dma_wait3A_5] : memref<8192x256xf32, #tpu.memory_space<hbm>> -> memref<8192x256xf32, #tpu.memory_space<hbm>>
    tpu.wait_indirect_dma semaphore(%arg7 : memref<!tpu.dma_semaphore, #tpu.memory_space<semaphore_mem>>) src(%dma_wait3A_6 : memref<8192x256xf32, #tpu.memory_space<hbm>>) dst(%arg6 : memref<64x256xf32, #tpu.memory_space<vmem>>)
    "tpu.region"() ({
      %run_scoped3A = tpu.sem_alloc : memref<!tpu.dma_semaphore, #tpu.memory_space<semaphore_mem>>
      %dma_start3A_7 = arith.constant 0 : i32
      %dma_start3A_8 = tpu.memref_slice %arg4[%mul3A_2, %dma_start3A_7] : memref<2048x256xf32, #tpu.memory_space<hbm>> -> memref<64x256xf32, #tpu.memory_space<hbm>>
      %dma_start3A_9 = arith.constant 0 : i32
      %dma_start3A_10 = tpu.memref_slice %arg4[%mul3A_2, %dma_start3A_9] : memref<2048x256xf32, #tpu.memory_space<hbm>> -> memref<64x256xf32, #tpu.memory_space<hbm>>
      tpu.enqueue_dma source(%arg6 : memref<64x256xf32, #tpu.memory_space<vmem>>) target(%dma_start3A_10 : memref<64x256xf32, #tpu.memory_space<hbm>>) target_semaphore(%run_scoped3A : memref<!tpu.dma_semaphore, #tpu.memory_space<semaphore_mem>>)
      %dma_wait3A_11 = arith.constant 0 : i32
      %dma_wait3A_12 = tpu.memref_slice %arg4[%mul3A_2, %dma_wait3A_11] : memref<2048x256xf32, #tpu.memory_space<hbm>> -> memref<64x256xf32, #tpu.memory_space<hbm>>
      %dma_wait3A_13 = arith.constant 0 : i32
      %dma_wait3A_14 = tpu.memref_slice %arg4[%mul3A_2, %dma_wait3A_13] : memref<2048x256xf32, #tpu.memory_space<hbm>> -> memref<64x256xf32, #tpu.memory_space<hbm>>
      tpu.wait_dma2 semaphore(%run_scoped3A : memref<!tpu.dma_semaphore, #tpu.memory_space<semaphore_mem>>) src(%arg6 : memref<64x256xf32, #tpu.memory_space<vmem>>) dst(%dma_wait3A_14 : memref<64x256xf32, #tpu.memory_space<hbm>>)
      tpu.yield
    }) : () -> ()
    return
  }
}

module attributes {stable_mosaic.version = 14 : i64} {
  func.func @_vq_body(%arg0: i32, %arg1: i32, %arg2: memref<512x256xf32, #tpu.memory_space<vmem>>, %arg3: memref<512x256xf32, #tpu.memory_space<vmem>>, %arg4: memref<1x1x512xf32, #tpu.memory_space<vmem>>, %arg5: memref<1x1x512xf32, #tpu.memory_space<vmem>>, %arg6: memref<1x1x512xi32, #tpu.memory_space<vmem>>, %arg7: memref<1x1x512xf32, #tpu.memory_space<vmem>>) attributes {dimension_semantics = [#tpu.dimension_semantics<arbitrary>, #tpu.dimension_semantics<arbitrary>], iteration_bounds = array<i64: 4, 16>, scalar_prefetch = 0 : i64, scratch_operands = 0 : i64, tpu.core_type = #tpu.core_type<tc>, window_params = [{transform_indices = @transform_0, window_bounds = array<i64: 512, 256>}, {transform_indices = @transform_1, window_bounds = array<i64: 512, 256>}, {transform_indices = @transform_2, window_bounds = array<i64: 1, 1, 512>}, {transform_indices = @transform_3, window_bounds = array<i64: 1, 1, 512>}, {transform_indices = @transform_4, window_bounds = array<i64: 1, 1, 512>}, {transform_indices = @transform_5, window_bounds = array<i64: 1, 1, 512>}]} {
    %get3A = arith.constant 0 : index
    %get3A_0 = arith.constant 0 : index
    %get3A_1 = vector.load %arg2[%get3A, %get3A_0] : memref<512x256xf32, #tpu.memory_space<vmem>>, vector<512x256xf32>
    %get3A_2 = arith.constant 0 : index
    %get3A_3 = arith.constant 0 : index
    %get3A_4 = vector.load %arg3[%get3A_2, %get3A_3] : memref<512x256xf32, #tpu.memory_space<vmem>>, vector<512x256xf32>
    %get3A_5 = arith.constant 0 : index
    %get3A_6 = arith.constant 0 : index
    %get3A_7 = arith.constant 0 : index
    %get3A_8 = vector.load %arg4[%get3A_5, %get3A_6, %get3A_7] : memref<1x1x512xf32, #tpu.memory_space<vmem>>, vector<1x1x512xf32>
    %get3A_9 = vector.shape_cast %get3A_8 : vector<1x1x512xf32> to vector<512xf32>
    %get3A_10 = arith.constant 0 : index
    %get3A_11 = arith.constant 0 : index
    %get3A_12 = arith.constant 0 : index
    %get3A_13 = vector.load %arg5[%get3A_10, %get3A_11, %get3A_12] : memref<1x1x512xf32, #tpu.memory_space<vmem>>, vector<1x1x512xf32>
    %get3A_14 = vector.shape_cast %get3A_13 : vector<1x1x512xf32> to vector<512xf32>
    %broadcast_in_dim3A = vector.shape_cast %get3A_14 : vector<512xf32> to vector<512x1xf32>
    %broadcast_in_dim3A_15 = vector.shape_cast %get3A_9 : vector<512xf32> to vector<1x512xf32>
    %add3A = vector.broadcast %broadcast_in_dim3A : vector<512x1xf32> to vector<512x512xf32>
    %add3A_16 = vector.broadcast %broadcast_in_dim3A_15 : vector<1x512xf32> to vector<512x512xf32>
    %add3A_17 = arith.addf %add3A, %add3A_16 : vector<512x512xf32>
    %convert_element_type3A = arith.truncf %get3A_4 : vector<512x256xf32> to vector<512x256xbf16>
    %convert_element_type3A_18 = arith.truncf %get3A_1 : vector<512x256xf32> to vector<512x256xbf16>
    %dot_general3A = arith.constant dense<0.000000e+00> : vector<512x512xf32>
    %dot_general3A_19 = tpu.matmul %convert_element_type3A, %convert_element_type3A_18, %dot_general3A {dimension_numbers = #tpu.dot_dimension_numbers<[1], [1], [0], [0], [0, 0, 1, 0], [], []>, transpose_lhs_hint = false} : vector<512x256xbf16>, vector<512x256xbf16>, vector<512x512xf32> -> vector<512x512xf32>
    %mul3A = arith.constant 2.000000e+00 : f32
    %mul3A_20 = vector.broadcast %mul3A : f32 to vector<512x512xf32>
    %mul3A_21 = arith.mulf %mul3A_20, %dot_general3A_19 : vector<512x512xf32>
    %sub3A = arith.subf %add3A_17, %mul3A_21 : vector<512x512xf32>
    %reduce_min3A = arith.constant dense<0x7F800000> : vector<512xf32>
    %reduce_min3A_22 = vector.multi_reduction <minimumf>, %sub3A, %reduce_min3A [0] : vector<512x512xf32> to vector<512xf32>
    %iota3A = tpu.iota {dimensions = array<i32: 0>} : vector<512x512xi32>
    %broadcast_in_dim3A_23 = vector.shape_cast %reduce_min3A_22 : vector<512xf32> to vector<1x512xf32>
    %eq3A = vector.broadcast %broadcast_in_dim3A_23 : vector<1x512xf32> to vector<512x512xf32>
    %eq3A_24 = arith.cmpf oeq, %sub3A, %eq3A : vector<512x512xf32>
    %jit3A = arith.constant 1073741824 : i32
    %broadcast_in_dim3A_25 = vector.broadcast %jit3A : i32 to vector<512x512xi32>
    %select_n3A = arith.select %eq3A_24, %iota3A, %broadcast_in_dim3A_25 : vector<512x512xi1>, vector<512x512xi32>
    %reduce_min3A_26 = arith.constant dense<2147483647> : vector<512xi32>
    %reduce_min3A_27 = vector.multi_reduction <minsi>, %select_n3A, %reduce_min3A_26 [0] : vector<512x512xi32> to vector<512xi32>
    %mul3A_28 = arith.constant 512 : i32
    %mul3A_29 = arith.muli %arg1, %mul3A_28 : i32
    %add3A_30 = vector.broadcast %mul3A_29 : i32 to vector<512xi32>
    %add3A_31 = arith.addi %reduce_min3A_27, %add3A_30 : vector<512xi32>
    %eq3A_32 = arith.constant 0 : i32
    %eq3A_33 = arith.cmpi eq, %arg1, %eq3A_32 : i32
    %convert_element_type3A_34 = arith.extui %eq3A_33 : i1 to i32
    %cond3A = arith.constant 0 : i32
    %cond3A_35 = arith.cmpi ne, %convert_element_type3A_34, %cond3A : i32
    scf.if %cond3A_35 {
      %broadcast_in_dim3A_56 = arith.constant 3.400000e+38 : f32
      %broadcast_in_dim3A_57 = vector.broadcast %broadcast_in_dim3A_56 : f32 to vector<1x1x512xf32>
      %swap3A_58 = arith.constant 0 : index
      %swap3A_59 = arith.constant 0 : index
      %swap3A_60 = arith.constant 0 : index
      %swap3A_61 = vector.load %arg7[%swap3A_58, %swap3A_59, %swap3A_60] : memref<1x1x512xf32, #tpu.memory_space<vmem>>, vector<1x1x512xf32>
      tpu.vector_store %arg7[%swap3A_58, %swap3A_59, %swap3A_60], %broadcast_in_dim3A_57 {strides = array<i32>} : memref<1x1x512xf32, #tpu.memory_space<vmem>>, vector<1x1x512xf32>,
      %broadcast_in_dim3A_62 = arith.constant 0 : i32
      %broadcast_in_dim3A_63 = vector.broadcast %broadcast_in_dim3A_62 : i32 to vector<1x1x512xi32>
      %swap3A_64 = arith.constant 0 : index
      %swap3A_65 = arith.constant 0 : index
      %swap3A_66 = arith.constant 0 : index
      %swap3A_67 = vector.load %arg6[%swap3A_64, %swap3A_65, %swap3A_66] : memref<1x1x512xi32, #tpu.memory_space<vmem>>, vector<1x1x512xi32>
      tpu.vector_store %arg6[%swap3A_64, %swap3A_65, %swap3A_66], %broadcast_in_dim3A_63 {strides = array<i32>} : memref<1x1x512xi32, #tpu.memory_space<vmem>>, vector<1x1x512xi32>,
    } else {
    }
    %get3A_36 = arith.constant 0 : index
    %get3A_37 = arith.constant 0 : index
    %get3A_38 = arith.constant 0 : index
    %get3A_39 = vector.load %arg7[%get3A_36, %get3A_37, %get3A_38] : memref<1x1x512xf32, #tpu.memory_space<vmem>>, vector<1x1x512xf32>
    %get3A_40 = vector.shape_cast %get3A_39 : vector<1x1x512xf32> to vector<512xf32>
    %get3A_41 = arith.constant 0 : index
    %get3A_42 = arith.constant 0 : index
    %get3A_43 = arith.constant 0 : index
    %get3A_44 = vector.load %arg6[%get3A_41, %get3A_42, %get3A_43] : memref<1x1x512xi32, #tpu.memory_space<vmem>>, vector<1x1x512xi32>
    %get3A_45 = vector.shape_cast %get3A_44 : vector<1x1x512xi32> to vector<512xi32>
    %lt3A = arith.cmpf olt, %reduce_min3A_22, %get3A_40 : vector<512xf32>
    %select_n3A_46 = arith.select %lt3A, %reduce_min3A_22, %get3A_40 : vector<512xi1>, vector<512xf32>
    %reshape3A = vector.shape_cast %select_n3A_46 : vector<512xf32> to vector<1x1x512xf32>
    %swap3A = arith.constant 0 : index
    %swap3A_47 = arith.constant 0 : index
    %swap3A_48 = arith.constant 0 : index
    %swap3A_49 = vector.load %arg7[%swap3A, %swap3A_47, %swap3A_48] : memref<1x1x512xf32, #tpu.memory_space<vmem>>, vector<1x1x512xf32>
    tpu.vector_store %arg7[%swap3A, %swap3A_47, %swap3A_48], %reshape3A {strides = array<i32>} : memref<1x1x512xf32, #tpu.memory_space<vmem>>, vector<1x1x512xf32>,
    %select_n3A_50 = arith.select %lt3A, %add3A_31, %get3A_45 : vector<512xi1>, vector<512xi32>
    %reshape3A_51 = vector.shape_cast %select_n3A_50 : vector<512xi32> to vector<1x1x512xi32>
    %swap3A_52 = arith.constant 0 : index
    %swap3A_53 = arith.constant 0 : index
    %swap3A_54 = arith.constant 0 : index
    %swap3A_55 = vector.load %arg6[%swap3A_52, %swap3A_53, %swap3A_54] : memref<1x1x512xi32, #tpu.memory_space<vmem>>, vector<1x1x512xi32>
    tpu.vector_store %arg6[%swap3A_52, %swap3A_53, %swap3A_54], %reshape3A_51 {strides = array<i32>} : memref<1x1x512xi32, #tpu.memory_space<vmem>>, vector<1x1x512xi32>,
    return
  }
  func.func @transform_0(%arg0: i32, %arg1: i32) -> (i32, i32) {
    %c0_i32 = arith.constant 0 : i32
    %c0_i32_0 = arith.constant 0 : i32
    return %arg0, %c0_i32 : i32, i32
  }
  func.func @transform_1(%arg0: i32, %arg1: i32) -> (i32, i32) {
    %c0_i32 = arith.constant 0 : i32
    %c0_i32_0 = arith.constant 0 : i32
    return %arg1, %c0_i32 : i32, i32
  }
  func.func @transform_2(%arg0: i32, %arg1: i32) -> (i32, i32, i32) {
    %c0_i32 = arith.constant 0 : i32
    %c0_i32_0 = arith.constant 0 : i32
    %c0_i32_1 = arith.constant 0 : i32
    return %arg0, %c0_i32, %c0_i32_0 : i32, i32, i32
  }
  func.func @transform_3(%arg0: i32, %arg1: i32) -> (i32, i32, i32) {
    %c0_i32 = arith.constant 0 : i32
    %c0_i32_0 = arith.constant 0 : i32
    %c0_i32_1 = arith.constant 0 : i32
    return %arg1, %c0_i32, %c0_i32_0 : i32, i32, i32
  }
  func.func @transform_4(%arg0: i32, %arg1: i32) -> (i32, i32, i32) {
    %c0_i32 = arith.constant 0 : i32
    %c0_i32_0 = arith.constant 0 : i32
    %c0_i32_1 = arith.constant 0 : i32
    return %arg0, %c0_i32, %c0_i32_0 : i32, i32, i32
  }
  func.func @transform_5(%arg0: i32, %arg1: i32) -> (i32, i32, i32) {
    %c0_i32 = arith.constant 0 : i32
    %c0_i32_0 = arith.constant 0 : i32
    %c0_i32_1 = arith.constant 0 : i32
    return %arg0, %c0_i32, %c0_i32_0 : i32, i32, i32
  }
}

module attributes {stable_mosaic.version = 14 : i64} {
  func.func @_mm_body(%arg0: i32, %arg1: memref<1024x256xf32, #tpu.memory_space<vmem>>, %arg2: memref<256x256xf32, #tpu.memory_space<vmem>>, %arg3: memref<1x256xf32, #tpu.memory_space<vmem>>, %arg4: memref<1024x256xf32, #tpu.memory_space<vmem>>) attributes {dimension_semantics = [#tpu.dimension_semantics<arbitrary>], iteration_bounds = array<i64: 2>, scalar_prefetch = 0 : i64, scratch_operands = 0 : i64, tpu.core_type = #tpu.core_type<tc>, window_params = [{transform_indices = @transform_0, window_bounds = array<i64: 1024, 256>}, {pipeline_mode = #tpu.pipeline_mode<synchronous>, transform_indices = @transform_1, window_bounds = array<i64: 256, 256>}, {pipeline_mode = #tpu.pipeline_mode<synchronous>, transform_indices = @transform_2, window_bounds = array<i64: 1, 256>}, {transform_indices = @transform_3, window_bounds = array<i64: 1024, 256>}]} {
    %get3A = arith.constant 0 : index
    %get3A_0 = arith.constant 0 : index
    %get3A_1 = vector.load %arg1[%get3A, %get3A_0] : memref<1024x256xf32, #tpu.memory_space<vmem>>, vector<1024x256xf32>
    %get3A_2 = arith.constant 0 : index
    %get3A_3 = arith.constant 0 : index
    %get3A_4 = vector.load %arg2[%get3A_2, %get3A_3] : memref<256x256xf32, #tpu.memory_space<vmem>>, vector<256x256xf32>
    %dot_general3A = arith.constant dense<0.000000e+00> : vector<1024x256xf32>
    %dot_general3A_5 = tpu.matmul %get3A_1, %get3A_4, %dot_general3A {dimension_numbers = #tpu.dot_dimension_numbers<[1], [0], [0], [1], [0, 0, 1, 1], [], []>, transpose_lhs_hint = false} : vector<1024x256xf32>, vector<256x256xf32>, vector<1024x256xf32> -> vector<1024x256xf32>
    %get3A_6 = arith.constant 0 : index
    %get3A_7 = arith.constant 0 : index
    %get3A_8 = vector.load %arg3[%get3A_6, %get3A_7] : memref<1x256xf32, #tpu.memory_space<vmem>>, vector<1x256xf32>
    %add3A = vector.broadcast %get3A_8 : vector<1x256xf32> to vector<1024x256xf32>
    %add3A_9 = arith.addf %dot_general3A_5, %add3A : vector<1024x256xf32>
    %swap3A = arith.constant 0 : index
    %swap3A_10 = arith.constant 0 : index
    %swap3A_11 = vector.load %arg4[%swap3A, %swap3A_10] : memref<1024x256xf32, #tpu.memory_space<vmem>>, vector<1024x256xf32>
    tpu.vector_store %arg4[%swap3A, %swap3A_10], %add3A_9 {strides = array<i32>} : memref<1024x256xf32, #tpu.memory_space<vmem>>, vector<1024x256xf32>,
    return
  }
  func.func @transform_0(%arg0: i32) -> (i32, i32) {
    %c0_i32 = arith.constant 0 : i32
    %c0_i32_0 = arith.constant 0 : i32
    return %arg0, %c0_i32 : i32, i32
  }
  func.func @transform_1(%arg0: i32) -> (i32, i32) {
    %c0_i32 = arith.constant 0 : i32
    %c0_i32_0 = arith.constant 0 : i32
    %c0_i32_1 = arith.constant 0 : i32
    return %c0_i32, %c0_i32_0 : i32, i32
  }
  func.func @transform_2(%arg0: i32) -> (i32, i32) {
    %c0_i32 = arith.constant 0 : i32
    %c0_i32_0 = arith.constant 0 : i32
    %c0_i32_1 = arith.constant 0 : i32
    return %c0_i32, %c0_i32_0 : i32, i32
  }
  func.func @transform_3(%arg0: i32) -> (i32, i32) {
    %c0_i32 = arith.constant 0 : i32
    %c0_i32_0 = arith.constant 0 : i32
    return %arg0, %c0_i32 : i32, i32
  }
}

module attributes {stable_mosaic.version = 14 : i64} {
  func.func @_conv_body(%arg0: i32, %arg1: i32, %arg2: memref<1x10x40x256xf32, #tpu.memory_space<vmem>>, %arg3: memref<3x768x256xf32, #tpu.memory_space<vmem>>, %arg4: memref<1x256xf32, #tpu.memory_space<vmem>>, %arg5: memref<1x8x32x256xf32, #tpu.memory_space<vmem>>) attributes {dimension_semantics = [#tpu.dimension_semantics<arbitrary>, #tpu.dimension_semantics<arbitrary>], iteration_bounds = array<i64: 2, 4>, scalar_prefetch = 0 : i64, scratch_operands = 0 : i64, tpu.core_type = #tpu.core_type<tc>, window_params = [{transform_indices = @transform_0, window_bounds = array<i64: 1, 10, 40, 256>, window_kind = #tpu.element_window<[0, 0, 0, 0], [0, 0, 0, 0]>}, {pipeline_mode = #tpu.pipeline_mode<synchronous>, transform_indices = @transform_1, window_bounds = array<i64: 3, 768, 256>}, {pipeline_mode = #tpu.pipeline_mode<synchronous>, transform_indices = @transform_2, window_bounds = array<i64: 1, 256>}, {transform_indices = @transform_3, window_bounds = array<i64: 1, 8, 32, 256>}]} {
    %get3A = arith.constant 0 : index
    %get3A_0 = arith.constant 0 : index
    %get3A_1 = arith.constant 0 : index
    %get3A_2 = arith.constant 0 : index
    %get3A_3 = vector.load %arg2[%get3A, %get3A_0, %get3A_1, %get3A_2] : memref<1x10x40x256xf32, #tpu.memory_space<vmem>>, vector<1x10x40x256xf32>
    %get3A_4 = vector.shape_cast %get3A_3 : vector<1x10x40x256xf32> to vector<10x40x256xf32>
    %slice3A = vector.extract_strided_slice %get3A_4 {offsets = [0, 0, 0], sizes = [10, 32, 256], strides = [1, 1, 1]} : vector<10x40x256xf32> to vector<10x32x256xf32>
    %slice3A_5 = vector.extract_strided_slice %get3A_4 {offsets = [0, 1, 0], sizes = [10, 32, 256], strides = [1, 1, 1]} : vector<10x40x256xf32> to vector<10x32x256xf32>
    %slice3A_6 = vector.extract_strided_slice %get3A_4 {offsets = [0, 2, 0], sizes = [10, 32, 256], strides = [1, 1, 1]} : vector<10x40x256xf32> to vector<10x32x256xf32>
    %concatenate3A = tpu.concatenate %slice3A, %slice3A_5, %slice3A_6 in 2 : vector<10x32x256xf32>, vector<10x32x256xf32>, vector<10x32x256xf32> -> vector<10x32x768xf32>
    %slice3A_7 = vector.extract_strided_slice %concatenate3A {offsets = [0, 0, 0], sizes = [8, 32, 768], strides = [1, 1, 1]} : vector<10x32x768xf32> to vector<8x32x768xf32>
    %reshape3A = vector.shape_cast %slice3A_7 : vector<8x32x768xf32> to vector<256x768xf32>
    %get3A_8 = arith.constant 0 : index
    %get3A_9 = arith.constant 0 : index
    %get3A_10 = arith.constant 0 : index
    %get3A_11 = vector.load %arg3[%get3A_8, %get3A_9, %get3A_10] : memref<3x768x256xf32, #tpu.memory_space<vmem>>, vector<1x768x256xf32>
    %get3A_12 = vector.shape_cast %get3A_11 : vector<1x768x256xf32> to vector<768x256xf32>
    %dot_general3A = arith.constant dense<0.000000e+00> : vector<256x256xf32>
    %dot_general3A_13 = tpu.matmul %reshape3A, %get3A_12, %dot_general3A {dimension_numbers = #tpu.dot_dimension_numbers<[1], [0], [0], [1], [0, 0, 1, 1], [], []>, transpose_lhs_hint = false} : vector<256x768xf32>, vector<768x256xf32>, vector<256x256xf32> -> vector<256x256xf32>
    %slice3A_14 = vector.extract_strided_slice %concatenate3A {offsets = [1, 0, 0], sizes = [8, 32, 768], strides = [1, 1, 1]} : vector<10x32x768xf32> to vector<8x32x768xf32>
    %reshape3A_15 = vector.shape_cast %slice3A_14 : vector<8x32x768xf32> to vector<256x768xf32>
    %get3A_16 = arith.constant 1 : index
    %get3A_17 = arith.constant 0 : index
    %get3A_18 = arith.constant 0 : index
    %get3A_19 = vector.load %arg3[%get3A_16, %get3A_17, %get3A_18] : memref<3x768x256xf32, #tpu.memory_space<vmem>>, vector<1x768x256xf32>
    %get3A_20 = vector.shape_cast %get3A_19 : vector<1x768x256xf32> to vector<768x256xf32>
    %dot_general3A_21 = arith.constant dense<0.000000e+00> : vector<256x256xf32>
    %dot_general3A_22 = tpu.matmul %reshape3A_15, %get3A_20, %dot_general3A_21 {dimension_numbers = #tpu.dot_dimension_numbers<[1], [0], [0], [1], [0, 0, 1, 1], [], []>, transpose_lhs_hint = false} : vector<256x768xf32>, vector<768x256xf32>, vector<256x256xf32> -> vector<256x256xf32>
    %add3A = arith.addf %dot_general3A_13, %dot_general3A_22 : vector<256x256xf32>
    %slice3A_23 = vector.extract_strided_slice %concatenate3A {offsets = [2, 0, 0], sizes = [8, 32, 768], strides = [1, 1, 1]} : vector<10x32x768xf32> to vector<8x32x768xf32>
    %reshape3A_24 = vector.shape_cast %slice3A_23 : vector<8x32x768xf32> to vector<256x768xf32>
    %get3A_25 = arith.constant 2 : index
    %get3A_26 = arith.constant 0 : index
    %get3A_27 = arith.constant 0 : index
    %get3A_28 = vector.load %arg3[%get3A_25, %get3A_26, %get3A_27] : memref<3x768x256xf32, #tpu.memory_space<vmem>>, vector<1x768x256xf32>
    %get3A_29 = vector.shape_cast %get3A_28 : vector<1x768x256xf32> to vector<768x256xf32>
    %dot_general3A_30 = arith.constant dense<0.000000e+00> : vector<256x256xf32>
    %dot_general3A_31 = tpu.matmul %reshape3A_24, %get3A_29, %dot_general3A_30 {dimension_numbers = #tpu.dot_dimension_numbers<[1], [0], [0], [1], [0, 0, 1, 1], [], []>, transpose_lhs_hint = false} : vector<256x768xf32>, vector<768x256xf32>, vector<256x256xf32> -> vector<256x256xf32>
    %add3A_32 = arith.addf %add3A, %dot_general3A_31 : vector<256x256xf32>
    %get3A_33 = arith.constant 0 : index
    %get3A_34 = arith.constant 0 : index
    %get3A_35 = vector.load %arg4[%get3A_33, %get3A_34] : memref<1x256xf32, #tpu.memory_space<vmem>>, vector<1x256xf32>
    %add3A_36 = vector.broadcast %get3A_35 : vector<1x256xf32> to vector<256x256xf32>
    %add3A_37 = arith.addf %add3A_32, %add3A_36 : vector<256x256xf32>
    %max3A = arith.constant 0.000000e+00 : f32
    %max3A_38 = vector.broadcast %max3A : f32 to vector<256x256xf32>
    %max3A_39 = arith.maximumf %add3A_37, %max3A_38 : vector<256x256xf32>
    %reshape3A_40 = vector.shape_cast %max3A_39 : vector<256x256xf32> to vector<1x8x32x256xf32>
    %swap3A = arith.constant 0 : index
    %swap3A_41 = arith.constant 0 : index
    %swap3A_42 = arith.constant 0 : index
    %swap3A_43 = arith.constant 0 : index
    %swap3A_44 = vector.load %arg5[%swap3A, %swap3A_41, %swap3A_42, %swap3A_43] : memref<1x8x32x256xf32, #tpu.memory_space<vmem>>, vector<1x8x32x256xf32>
    tpu.vector_store %arg5[%swap3A, %swap3A_41, %swap3A_42, %swap3A_43], %reshape3A_40 {strides = array<i32>} : memref<1x8x32x256xf32, #tpu.memory_space<vmem>>, vector<1x8x32x256xf32>,
    return
  }
  func.func @transform_0(%arg0: i32, %arg1: i32) -> (i32, i32, i32, i32) {
    %mul3A = arith.constant 8 : i32
    %mul3A_0 = arith.muli %arg1, %mul3A : i32
    %c0_i32 = arith.constant 0 : i32
    %c0_i32_1 = arith.constant 0 : i32
    %c0_i32_2 = arith.constant 0 : i32
    return %arg0, %mul3A_0, %c0_i32, %c0_i32_1 : i32, i32, i32, i32
  }
  func.func @transform_1(%arg0: i32, %arg1: i32) -> (i32, i32, i32) {
    %c0_i32 = arith.constant 0 : i32
    %c0_i32_0 = arith.constant 0 : i32
    %c0_i32_1 = arith.constant 0 : i32
    %c0_i32_2 = arith.constant 0 : i32
    return %c0_i32, %c0_i32_0, %c0_i32_1 : i32, i32, i32
  }
  func.func @transform_2(%arg0: i32, %arg1: i32) -> (i32, i32) {
    %c0_i32 = arith.constant 0 : i32
    %c0_i32_0 = arith.constant 0 : i32
    %c0_i32_1 = arith.constant 0 : i32
    return %c0_i32, %c0_i32_0 : i32, i32
  }
  func.func @transform_3(%arg0: i32, %arg1: i32) -> (i32, i32, i32, i32) {
    %c0_i32 = arith.constant 0 : i32
    %c0_i32_0 = arith.constant 0 : i32
    %c0_i32_1 = arith.constant 0 : i32
    return %arg0, %arg1, %c0_i32, %c0_i32_0 : i32, i32, i32, i32
  }
}

module attributes {stable_mosaic.version = 14 : i64} {
  func.func @_upconv_body(%arg0: i32, %arg1: i32, %arg2: memref<1x10x40x256xf32, #tpu.memory_space<vmem>>, %arg3: memref<3x768x128xf32, #tpu.memory_space<vmem>>, %arg4: memref<1x128xf32, #tpu.memory_space<vmem>>, %arg5: memref<1x16x64x128xf32, #tpu.memory_space<vmem>>) attributes {dimension_semantics = [#tpu.dimension_semantics<arbitrary>, #tpu.dimension_semantics<arbitrary>], iteration_bounds = array<i64: 2, 4>, scalar_prefetch = 0 : i64, scratch_operands = 0 : i64, tpu.core_type = #tpu.core_type<tc>, window_params = [{transform_indices = @transform_0, window_bounds = array<i64: 1, 10, 40, 256>, window_kind = #tpu.element_window<[0, 0, 0, 0], [0, 0, 0, 0]>}, {pipeline_mode = #tpu.pipeline_mode<synchronous>, transform_indices = @transform_1, window_bounds = array<i64: 3, 768, 128>}, {pipeline_mode = #tpu.pipeline_mode<synchronous>, transform_indices = @transform_2, window_bounds = array<i64: 1, 128>}, {transform_indices = @transform_3, window_bounds = array<i64: 1, 16, 64, 128>}]} {
    %get3A = arith.constant 0 : index
    %get3A_0 = arith.constant 0 : index
    %get3A_1 = arith.constant 0 : index
    %get3A_2 = arith.constant 0 : index
    %get3A_3 = vector.load %arg2[%get3A, %get3A_0, %get3A_1, %get3A_2] : memref<1x10x40x256xf32, #tpu.memory_space<vmem>>, vector<1x10x40x256xf32>
    %get3A_4 = vector.shape_cast %get3A_3 : vector<1x10x40x256xf32> to vector<10x40x256xf32>
    %slice3A = vector.extract_strided_slice %get3A_4 {offsets = [1, 0, 0], sizes = [8, 40, 256], strides = [1, 1, 1]} : vector<10x40x256xf32> to vector<8x40x256xf32>
    %slice3A_5 = vector.extract_strided_slice %get3A_4 {offsets = [0, 0, 0], sizes = [1, 40, 256], strides = [1, 1, 1]} : vector<10x40x256xf32> to vector<1x40x256xf32>
    %stack3A = vector.shape_cast %slice3A : vector<8x40x256xf32> to vector<8x1x40x256xf32>
    %stack3A_6 = vector.shape_cast %slice3A : vector<8x40x256xf32> to vector<8x1x40x256xf32>
    %stack3A_7 = tpu.concatenate %stack3A, %stack3A_6 in 1 : vector<8x1x40x256xf32>, vector<8x1x40x256xf32> -> vector<8x2x40x256xf32>
    %reshape3A = vector.shape_cast %stack3A_7 : vector<8x2x40x256xf32> to vector<16x40x256xf32>
    %slice3A_8 = vector.extract_strided_slice %get3A_4 {offsets = [9, 0, 0], sizes = [1, 40, 256], strides = [1, 1, 1]} : vector<10x40x256xf32> to vector<1x40x256xf32>
    %concatenate3A = tpu.concatenate %slice3A_5, %reshape3A, %slice3A_8 in 0 : vector<1x40x256xf32>, vector<16x40x256xf32>, vector<1x40x256xf32> -> vector<18x40x256xf32>
    %slice3A_9 = vector.extract_strided_slice %concatenate3A {offsets = [0, 1, 0], sizes = [18, 32, 256], strides = [1, 1, 1]} : vector<18x40x256xf32> to vector<18x32x256xf32>
    %slice3A_10 = vector.extract_strided_slice %concatenate3A {offsets = [0, 0, 0], sizes = [18, 1, 256], strides = [1, 1, 1]} : vector<18x40x256xf32> to vector<18x1x256xf32>
    %stack3A_11 = vector.shape_cast %slice3A_9 : vector<18x32x256xf32> to vector<18x32x1x256xf32>
    %stack3A_12 = vector.shape_cast %slice3A_9 : vector<18x32x256xf32> to vector<18x32x1x256xf32>
    %stack3A_13 = tpu.concatenate %stack3A_11, %stack3A_12 in 2 : vector<18x32x1x256xf32>, vector<18x32x1x256xf32> -> vector<18x32x2x256xf32>
    %reshape3A_14 = vector.shape_cast %stack3A_13 : vector<18x32x2x256xf32> to vector<18x64x256xf32>
    %slice3A_15 = vector.extract_strided_slice %concatenate3A {offsets = [0, 33, 0], sizes = [18, 1, 256], strides = [1, 1, 1]} : vector<18x40x256xf32> to vector<18x1x256xf32>
    %concatenate3A_16 = tpu.concatenate %slice3A_10, %reshape3A_14, %slice3A_15 in 1 : vector<18x1x256xf32>, vector<18x64x256xf32>, vector<18x1x256xf32> -> vector<18x66x256xf32>
    %slice3A_17 = vector.extract_strided_slice %concatenate3A_16 {offsets = [0, 0, 0], sizes = [18, 64, 256], strides = [1, 1, 1]} : vector<18x66x256xf32> to vector<18x64x256xf32>
    %slice3A_18 = vector.extract_strided_slice %concatenate3A_16 {offsets = [0, 1, 0], sizes = [18, 64, 256], strides = [1, 1, 1]} : vector<18x66x256xf32> to vector<18x64x256xf32>
    %slice3A_19 = vector.extract_strided_slice %concatenate3A_16 {offsets = [0, 2, 0], sizes = [18, 64, 256], strides = [1, 1, 1]} : vector<18x66x256xf32> to vector<18x64x256xf32>
    %concatenate3A_20 = tpu.concatenate %slice3A_17, %slice3A_18, %slice3A_19 in 2 : vector<18x64x256xf32>, vector<18x64x256xf32>, vector<18x64x256xf32> -> vector<18x64x768xf32>
    %slice3A_21 = vector.extract_strided_slice %concatenate3A_20 {offsets = [0, 0, 0], sizes = [16, 64, 768], strides = [1, 1, 1]} : vector<18x64x768xf32> to vector<16x64x768xf32>
    %reshape3A_22 = vector.shape_cast %slice3A_21 : vector<16x64x768xf32> to vector<1024x768xf32>
    %get3A_23 = arith.constant 0 : index
    %get3A_24 = arith.constant 0 : index
    %get3A_25 = arith.constant 0 : index
    %get3A_26 = vector.load %arg3[%get3A_23, %get3A_24, %get3A_25] : memref<3x768x128xf32, #tpu.memory_space<vmem>>, vector<1x768x128xf32>
    %get3A_27 = vector.shape_cast %get3A_26 : vector<1x768x128xf32> to vector<768x128xf32>
    %dot_general3A = arith.constant dense<0.000000e+00> : vector<1024x128xf32>
    %dot_general3A_28 = tpu.matmul %reshape3A_22, %get3A_27, %dot_general3A {dimension_numbers = #tpu.dot_dimension_numbers<[1], [0], [0], [1], [0, 0, 1, 1], [], []>, transpose_lhs_hint = false} : vector<1024x768xf32>, vector<768x128xf32>, vector<1024x128xf32> -> vector<1024x128xf32>
    %slice3A_29 = vector.extract_strided_slice %concatenate3A_20 {offsets = [1, 0, 0], sizes = [16, 64, 768], strides = [1, 1, 1]} : vector<18x64x768xf32> to vector<16x64x768xf32>
    %reshape3A_30 = vector.shape_cast %slice3A_29 : vector<16x64x768xf32> to vector<1024x768xf32>
    %get3A_31 = arith.constant 1 : index
    %get3A_32 = arith.constant 0 : index
    %get3A_33 = arith.constant 0 : index
    %get3A_34 = vector.load %arg3[%get3A_31, %get3A_32, %get3A_33] : memref<3x768x128xf32, #tpu.memory_space<vmem>>, vector<1x768x128xf32>
    %get3A_35 = vector.shape_cast %get3A_34 : vector<1x768x128xf32> to vector<768x128xf32>
    %dot_general3A_36 = arith.constant dense<0.000000e+00> : vector<1024x128xf32>
    %dot_general3A_37 = tpu.matmul %reshape3A_30, %get3A_35, %dot_general3A_36 {dimension_numbers = #tpu.dot_dimension_numbers<[1], [0], [0], [1], [0, 0, 1, 1], [], []>, transpose_lhs_hint = false} : vector<1024x768xf32>, vector<768x128xf32>, vector<1024x128xf32> -> vector<1024x128xf32>
    %add3A = arith.addf %dot_general3A_28, %dot_general3A_37 : vector<1024x128xf32>
    %slice3A_38 = vector.extract_strided_slice %concatenate3A_20 {offsets = [2, 0, 0], sizes = [16, 64, 768], strides = [1, 1, 1]} : vector<18x64x768xf32> to vector<16x64x768xf32>
    %reshape3A_39 = vector.shape_cast %slice3A_38 : vector<16x64x768xf32> to vector<1024x768xf32>
    %get3A_40 = arith.constant 2 : index
    %get3A_41 = arith.constant 0 : index
    %get3A_42 = arith.constant 0 : index
    %get3A_43 = vector.load %arg3[%get3A_40, %get3A_41, %get3A_42] : memref<3x768x128xf32, #tpu.memory_space<vmem>>, vector<1x768x128xf32>
    %get3A_44 = vector.shape_cast %get3A_43 : vector<1x768x128xf32> to vector<768x128xf32>
    %dot_general3A_45 = arith.constant dense<0.000000e+00> : vector<1024x128xf32>
    %dot_general3A_46 = tpu.matmul %reshape3A_39, %get3A_44, %dot_general3A_45 {dimension_numbers = #tpu.dot_dimension_numbers<[1], [0], [0], [1], [0, 0, 1, 1], [], []>, transpose_lhs_hint = false} : vector<1024x768xf32>, vector<768x128xf32>, vector<1024x128xf32> -> vector<1024x128xf32>
    %add3A_47 = arith.addf %add3A, %dot_general3A_46 : vector<1024x128xf32>
    %get3A_48 = arith.constant 0 : index
    %get3A_49 = arith.constant 0 : index
    %get3A_50 = vector.load %arg4[%get3A_48, %get3A_49] : memref<1x128xf32, #tpu.memory_space<vmem>>, vector<1x128xf32>
    %add3A_51 = vector.broadcast %get3A_50 : vector<1x128xf32> to vector<1024x128xf32>
    %add3A_52 = arith.addf %add3A_47, %add3A_51 : vector<1024x128xf32>
    %max3A = arith.constant 0.000000e+00 : f32
    %max3A_53 = vector.broadcast %max3A : f32 to vector<1024x128xf32>
    %max3A_54 = arith.maximumf %add3A_52, %max3A_53 : vector<1024x128xf32>
    %reshape3A_55 = vector.shape_cast %max3A_54 : vector<1024x128xf32> to vector<1x16x64x128xf32>
    %swap3A = arith.constant 0 : index
    %swap3A_56 = arith.constant 0 : index
    %swap3A_57 = arith.constant 0 : index
    %swap3A_58 = arith.constant 0 : index
    %swap3A_59 = vector.load %arg5[%swap3A, %swap3A_56, %swap3A_57, %swap3A_58] : memref<1x16x64x128xf32, #tpu.memory_space<vmem>>, vector<1x16x64x128xf32>
    tpu.vector_store %arg5[%swap3A, %swap3A_56, %swap3A_57, %swap3A_58], %reshape3A_55 {strides = array<i32>} : memref<1x16x64x128xf32, #tpu.memory_space<vmem>>, vector<1x16x64x128xf32>,
    return
  }
  func.func @transform_0(%arg0: i32, %arg1: i32) -> (i32, i32, i32, i32) {
    %mul3A = arith.constant 8 : i32
    %mul3A_0 = arith.muli %arg1, %mul3A : i32
    %c0_i32 = arith.constant 0 : i32
    %c0_i32_1 = arith.constant 0 : i32
    %c0_i32_2 = arith.constant 0 : i32
    return %arg0, %mul3A_0, %c0_i32, %c0_i32_1 : i32, i32, i32, i32
  }
  func.func @transform_1(%arg0: i32, %arg1: i32) -> (i32, i32, i32) {
    %c0_i32 = arith.constant 0 : i32
    %c0_i32_0 = arith.constant 0 : i32
    %c0_i32_1 = arith.constant 0 : i32
    %c0_i32_2 = arith.constant 0 : i32
    return %c0_i32, %c0_i32_0, %c0_i32_1 : i32, i32, i32
  }
  func.func @transform_2(%arg0: i32, %arg1: i32) -> (i32, i32) {
    %c0_i32 = arith.constant 0 : i32
    %c0_i32_0 = arith.constant 0 : i32
    %c0_i32_1 = arith.constant 0 : i32
    return %c0_i32, %c0_i32_0 : i32, i32
  }
  func.func @transform_3(%arg0: i32, %arg1: i32) -> (i32, i32, i32, i32) {
    %c0_i32 = arith.constant 0 : i32
    %c0_i32_0 = arith.constant 0 : i32
    %c0_i32_1 = arith.constant 0 : i32
    return %arg0, %arg1, %c0_i32, %c0_i32_0 : i32, i32, i32, i32
  }
}

module attributes {stable_mosaic.version = 14 : i64} {
  func.func @_upconv_body(%arg0: i32, %arg1: i32, %arg2: memref<1x10x72x128xf32, #tpu.memory_space<vmem>>, %arg3: memref<3x384x64xf32, #tpu.memory_space<vmem>>, %arg4: memref<1x64xf32, #tpu.memory_space<vmem>>, %arg5: memref<1x16x128x64xf32, #tpu.memory_space<vmem>>) attributes {dimension_semantics = [#tpu.dimension_semantics<arbitrary>, #tpu.dimension_semantics<arbitrary>], iteration_bounds = array<i64: 2, 8>, scalar_prefetch = 0 : i64, scratch_operands = 0 : i64, tpu.core_type = #tpu.core_type<tc>, window_params = [{transform_indices = @transform_0, window_bounds = array<i64: 1, 10, 72, 128>, window_kind = #tpu.element_window<[0, 0, 0, 0], [0, 0, 0, 0]>}, {pipeline_mode = #tpu.pipeline_mode<synchronous>, transform_indices = @transform_1, window_bounds = array<i64: 3, 384, 64>}, {pipeline_mode = #tpu.pipeline_mode<synchronous>, transform_indices = @transform_2, window_bounds = array<i64: 1, 64>}, {transform_indices = @transform_3, window_bounds = array<i64: 1, 16, 128, 64>}]} {
    %get3A = arith.constant 0 : index
    %get3A_0 = arith.constant 0 : index
    %get3A_1 = arith.constant 0 : index
    %get3A_2 = arith.constant 0 : index
    %get3A_3 = vector.load %arg2[%get3A, %get3A_0, %get3A_1, %get3A_2] : memref<1x10x72x128xf32, #tpu.memory_space<vmem>>, vector<1x10x72x128xf32>
    %get3A_4 = vector.shape_cast %get3A_3 : vector<1x10x72x128xf32> to vector<10x72x128xf32>
    %slice3A = vector.extract_strided_slice %get3A_4 {offsets = [1, 0, 0], sizes = [8, 72, 128], strides = [1, 1, 1]} : vector<10x72x128xf32> to vector<8x72x128xf32>
    %slice3A_5 = vector.extract_strided_slice %get3A_4 {offsets = [0, 0, 0], sizes = [1, 72, 128], strides = [1, 1, 1]} : vector<10x72x128xf32> to vector<1x72x128xf32>
    %stack3A = vector.shape_cast %slice3A : vector<8x72x128xf32> to vector<8x1x72x128xf32>
    %stack3A_6 = vector.shape_cast %slice3A : vector<8x72x128xf32> to vector<8x1x72x128xf32>
    %stack3A_7 = tpu.concatenate %stack3A, %stack3A_6 in 1 : vector<8x1x72x128xf32>, vector<8x1x72x128xf32> -> vector<8x2x72x128xf32>
    %reshape3A = vector.shape_cast %stack3A_7 : vector<8x2x72x128xf32> to vector<16x72x128xf32>
    %slice3A_8 = vector.extract_strided_slice %get3A_4 {offsets = [9, 0, 0], sizes = [1, 72, 128], strides = [1, 1, 1]} : vector<10x72x128xf32> to vector<1x72x128xf32>
    %concatenate3A = tpu.concatenate %slice3A_5, %reshape3A, %slice3A_8 in 0 : vector<1x72x128xf32>, vector<16x72x128xf32>, vector<1x72x128xf32> -> vector<18x72x128xf32>
    %slice3A_9 = vector.extract_strided_slice %concatenate3A {offsets = [0, 1, 0], sizes = [18, 64, 128], strides = [1, 1, 1]} : vector<18x72x128xf32> to vector<18x64x128xf32>
    %slice3A_10 = vector.extract_strided_slice %concatenate3A {offsets = [0, 0, 0], sizes = [18, 1, 128], strides = [1, 1, 1]} : vector<18x72x128xf32> to vector<18x1x128xf32>
    %stack3A_11 = vector.shape_cast %slice3A_9 : vector<18x64x128xf32> to vector<18x64x1x128xf32>
    %stack3A_12 = vector.shape_cast %slice3A_9 : vector<18x64x128xf32> to vector<18x64x1x128xf32>
    %stack3A_13 = tpu.concatenate %stack3A_11, %stack3A_12 in 2 : vector<18x64x1x128xf32>, vector<18x64x1x128xf32> -> vector<18x64x2x128xf32>
    %reshape3A_14 = vector.shape_cast %stack3A_13 : vector<18x64x2x128xf32> to vector<18x128x128xf32>
    %slice3A_15 = vector.extract_strided_slice %concatenate3A {offsets = [0, 65, 0], sizes = [18, 1, 128], strides = [1, 1, 1]} : vector<18x72x128xf32> to vector<18x1x128xf32>
    %concatenate3A_16 = tpu.concatenate %slice3A_10, %reshape3A_14, %slice3A_15 in 1 : vector<18x1x128xf32>, vector<18x128x128xf32>, vector<18x1x128xf32> -> vector<18x130x128xf32>
    %slice3A_17 = vector.extract_strided_slice %concatenate3A_16 {offsets = [0, 0, 0], sizes = [18, 128, 128], strides = [1, 1, 1]} : vector<18x130x128xf32> to vector<18x128x128xf32>
    %slice3A_18 = vector.extract_strided_slice %concatenate3A_16 {offsets = [0, 1, 0], sizes = [18, 128, 128], strides = [1, 1, 1]} : vector<18x130x128xf32> to vector<18x128x128xf32>
    %slice3A_19 = vector.extract_strided_slice %concatenate3A_16 {offsets = [0, 2, 0], sizes = [18, 128, 128], strides = [1, 1, 1]} : vector<18x130x128xf32> to vector<18x128x128xf32>
    %concatenate3A_20 = tpu.concatenate %slice3A_17, %slice3A_18, %slice3A_19 in 2 : vector<18x128x128xf32>, vector<18x128x128xf32>, vector<18x128x128xf32> -> vector<18x128x384xf32>
    %slice3A_21 = vector.extract_strided_slice %concatenate3A_20 {offsets = [0, 0, 0], sizes = [16, 128, 384], strides = [1, 1, 1]} : vector<18x128x384xf32> to vector<16x128x384xf32>
    %reshape3A_22 = vector.shape_cast %slice3A_21 : vector<16x128x384xf32> to vector<2048x384xf32>
    %get3A_23 = arith.constant 0 : index
    %get3A_24 = arith.constant 0 : index
    %get3A_25 = arith.constant 0 : index
    %get3A_26 = vector.load %arg3[%get3A_23, %get3A_24, %get3A_25] : memref<3x384x64xf32, #tpu.memory_space<vmem>>, vector<1x384x64xf32>
    %get3A_27 = vector.shape_cast %get3A_26 : vector<1x384x64xf32> to vector<384x64xf32>
    %dot_general3A = arith.constant dense<0.000000e+00> : vector<2048x64xf32>
    %dot_general3A_28 = tpu.matmul %reshape3A_22, %get3A_27, %dot_general3A {dimension_numbers = #tpu.dot_dimension_numbers<[1], [0], [0], [1], [0, 0, 1, 1], [], []>, transpose_lhs_hint = false} : vector<2048x384xf32>, vector<384x64xf32>, vector<2048x64xf32> -> vector<2048x64xf32>
    %slice3A_29 = vector.extract_strided_slice %concatenate3A_20 {offsets = [1, 0, 0], sizes = [16, 128, 384], strides = [1, 1, 1]} : vector<18x128x384xf32> to vector<16x128x384xf32>
    %reshape3A_30 = vector.shape_cast %slice3A_29 : vector<16x128x384xf32> to vector<2048x384xf32>
    %get3A_31 = arith.constant 1 : index
    %get3A_32 = arith.constant 0 : index
    %get3A_33 = arith.constant 0 : index
    %get3A_34 = vector.load %arg3[%get3A_31, %get3A_32, %get3A_33] : memref<3x384x64xf32, #tpu.memory_space<vmem>>, vector<1x384x64xf32>
    %get3A_35 = vector.shape_cast %get3A_34 : vector<1x384x64xf32> to vector<384x64xf32>
    %dot_general3A_36 = arith.constant dense<0.000000e+00> : vector<2048x64xf32>
    %dot_general3A_37 = tpu.matmul %reshape3A_30, %get3A_35, %dot_general3A_36 {dimension_numbers = #tpu.dot_dimension_numbers<[1], [0], [0], [1], [0, 0, 1, 1], [], []>, transpose_lhs_hint = false} : vector<2048x384xf32>, vector<384x64xf32>, vector<2048x64xf32> -> vector<2048x64xf32>
    %add3A = arith.addf %dot_general3A_28, %dot_general3A_37 : vector<2048x64xf32>
    %slice3A_38 = vector.extract_strided_slice %concatenate3A_20 {offsets = [2, 0, 0], sizes = [16, 128, 384], strides = [1, 1, 1]} : vector<18x128x384xf32> to vector<16x128x384xf32>
    %reshape3A_39 = vector.shape_cast %slice3A_38 : vector<16x128x384xf32> to vector<2048x384xf32>
    %get3A_40 = arith.constant 2 : index
    %get3A_41 = arith.constant 0 : index
    %get3A_42 = arith.constant 0 : index
    %get3A_43 = vector.load %arg3[%get3A_40, %get3A_41, %get3A_42] : memref<3x384x64xf32, #tpu.memory_space<vmem>>, vector<1x384x64xf32>
    %get3A_44 = vector.shape_cast %get3A_43 : vector<1x384x64xf32> to vector<384x64xf32>
    %dot_general3A_45 = arith.constant dense<0.000000e+00> : vector<2048x64xf32>
    %dot_general3A_46 = tpu.matmul %reshape3A_39, %get3A_44, %dot_general3A_45 {dimension_numbers = #tpu.dot_dimension_numbers<[1], [0], [0], [1], [0, 0, 1, 1], [], []>, transpose_lhs_hint = false} : vector<2048x384xf32>, vector<384x64xf32>, vector<2048x64xf32> -> vector<2048x64xf32>
    %add3A_47 = arith.addf %add3A, %dot_general3A_46 : vector<2048x64xf32>
    %get3A_48 = arith.constant 0 : index
    %get3A_49 = arith.constant 0 : index
    %get3A_50 = vector.load %arg4[%get3A_48, %get3A_49] : memref<1x64xf32, #tpu.memory_space<vmem>>, vector<1x64xf32>
    %add3A_51 = vector.broadcast %get3A_50 : vector<1x64xf32> to vector<2048x64xf32>
    %add3A_52 = arith.addf %add3A_47, %add3A_51 : vector<2048x64xf32>
    %max3A = arith.constant 0.000000e+00 : f32
    %max3A_53 = vector.broadcast %max3A : f32 to vector<2048x64xf32>
    %max3A_54 = arith.maximumf %add3A_52, %max3A_53 : vector<2048x64xf32>
    %reshape3A_55 = vector.shape_cast %max3A_54 : vector<2048x64xf32> to vector<1x16x128x64xf32>
    %swap3A = arith.constant 0 : index
    %swap3A_56 = arith.constant 0 : index
    %swap3A_57 = arith.constant 0 : index
    %swap3A_58 = arith.constant 0 : index
    %swap3A_59 = vector.load %arg5[%swap3A, %swap3A_56, %swap3A_57, %swap3A_58] : memref<1x16x128x64xf32, #tpu.memory_space<vmem>>, vector<1x16x128x64xf32>
    tpu.vector_store %arg5[%swap3A, %swap3A_56, %swap3A_57, %swap3A_58], %reshape3A_55 {strides = array<i32>} : memref<1x16x128x64xf32, #tpu.memory_space<vmem>>, vector<1x16x128x64xf32>,
    return
  }
  func.func @transform_0(%arg0: i32, %arg1: i32) -> (i32, i32, i32, i32) {
    %mul3A = arith.constant 8 : i32
    %mul3A_0 = arith.muli %arg1, %mul3A : i32
    %c0_i32 = arith.constant 0 : i32
    %c0_i32_1 = arith.constant 0 : i32
    %c0_i32_2 = arith.constant 0 : i32
    return %arg0, %mul3A_0, %c0_i32, %c0_i32_1 : i32, i32, i32, i32
  }
  func.func @transform_1(%arg0: i32, %arg1: i32) -> (i32, i32, i32) {
    %c0_i32 = arith.constant 0 : i32
    %c0_i32_0 = arith.constant 0 : i32
    %c0_i32_1 = arith.constant 0 : i32
    %c0_i32_2 = arith.constant 0 : i32
    return %c0_i32, %c0_i32_0, %c0_i32_1 : i32, i32, i32
  }
  func.func @transform_2(%arg0: i32, %arg1: i32) -> (i32, i32) {
    %c0_i32 = arith.constant 0 : i32
    %c0_i32_0 = arith.constant 0 : i32
    %c0_i32_1 = arith.constant 0 : i32
    return %c0_i32, %c0_i32_0 : i32, i32
  }
  func.func @transform_3(%arg0: i32, %arg1: i32) -> (i32, i32, i32, i32) {
    %c0_i32 = arith.constant 0 : i32
    %c0_i32_0 = arith.constant 0 : i32
    %c0_i32_1 = arith.constant 0 : i32
    return %arg0, %arg1, %c0_i32, %c0_i32_0 : i32, i32, i32, i32
  }
}

module attributes {stable_mosaic.version = 14 : i64} {
  func.func @_upconv_out_body(%arg0: i32, %arg1: i32, %arg2: memref<1x10x136x64xf32, #tpu.memory_space<vmem>>, %arg3: memref<3x192x64xf32, #tpu.memory_space<vmem>>, %arg4: memref<1x64xf32, #tpu.memory_space<vmem>>, %arg5: memref<3x192x8xf32, #tpu.memory_space<vmem>>, %arg6: memref<1x8xf32, #tpu.memory_space<vmem>>, %arg7: memref<1x16x256x8xf32, #tpu.memory_space<vmem>>) attributes {dimension_semantics = [#tpu.dimension_semantics<arbitrary>, #tpu.dimension_semantics<arbitrary>], iteration_bounds = array<i64: 2, 16>, scalar_prefetch = 0 : i64, scratch_operands = 0 : i64, tpu.core_type = #tpu.core_type<tc>, window_params = [{transform_indices = @transform_0, window_bounds = array<i64: 1, 10, 136, 64>, window_kind = #tpu.element_window<[0, 0, 0, 0], [0, 0, 0, 0]>}, {pipeline_mode = #tpu.pipeline_mode<synchronous>, transform_indices = @transform_1, window_bounds = array<i64: 3, 192, 64>}, {pipeline_mode = #tpu.pipeline_mode<synchronous>, transform_indices = @transform_2, window_bounds = array<i64: 1, 64>}, {pipeline_mode = #tpu.pipeline_mode<synchronous>, transform_indices = @transform_3, window_bounds = array<i64: 3, 192, 8>}, {pipeline_mode = #tpu.pipeline_mode<synchronous>, transform_indices = @transform_4, window_bounds = array<i64: 1, 8>}, {transform_indices = @transform_5, window_bounds = array<i64: 1, 16, 256, 8>}]} {
    %get3A = arith.constant 0 : index
    %get3A_0 = arith.constant 0 : index
    %get3A_1 = arith.constant 0 : index
    %get3A_2 = arith.constant 0 : index
    %get3A_3 = vector.load %arg2[%get3A, %get3A_0, %get3A_1, %get3A_2] : memref<1x10x136x64xf32, #tpu.memory_space<vmem>>, vector<1x10x136x64xf32>
    %get3A_4 = vector.shape_cast %get3A_3 : vector<1x10x136x64xf32> to vector<10x136x64xf32>
    %stack3A = vector.shape_cast %get3A_4 : vector<10x136x64xf32> to vector<10x1x136x64xf32>
    %stack3A_5 = vector.shape_cast %get3A_4 : vector<10x136x64xf32> to vector<10x1x136x64xf32>
    %stack3A_6 = tpu.concatenate %stack3A, %stack3A_5 in 1 : vector<10x1x136x64xf32>, vector<10x1x136x64xf32> -> vector<10x2x136x64xf32>
    %reshape3A = vector.shape_cast %stack3A_6 : vector<10x2x136x64xf32> to vector<20x136x64xf32>
    %slice3A = vector.extract_strided_slice %reshape3A {offsets = [0, 1, 0], sizes = [20, 128, 64], strides = [1, 1, 1]} : vector<20x136x64xf32> to vector<20x128x64xf32>
    %slice3A_7 = vector.extract_strided_slice %reshape3A {offsets = [0, 0, 0], sizes = [20, 1, 64], strides = [1, 1, 1]} : vector<20x136x64xf32> to vector<20x1x64xf32>
    %stack3A_8 = vector.shape_cast %slice3A : vector<20x128x64xf32> to vector<20x128x1x64xf32>
    %stack3A_9 = vector.shape_cast %slice3A : vector<20x128x64xf32> to vector<20x128x1x64xf32>
    %stack3A_10 = tpu.concatenate %stack3A_8, %stack3A_9 in 2 : vector<20x128x1x64xf32>, vector<20x128x1x64xf32> -> vector<20x128x2x64xf32>
    %reshape3A_11 = vector.shape_cast %stack3A_10 : vector<20x128x2x64xf32> to vector<20x256x64xf32>
    %slice3A_12 = vector.extract_strided_slice %reshape3A {offsets = [0, 129, 0], sizes = [20, 1, 64], strides = [1, 1, 1]} : vector<20x136x64xf32> to vector<20x1x64xf32>
    %concatenate3A = tpu.concatenate %slice3A_7, %reshape3A_11, %slice3A_12 in 1 : vector<20x1x64xf32>, vector<20x256x64xf32>, vector<20x1x64xf32> -> vector<20x258x64xf32>
    %slice3A_13 = vector.extract_strided_slice %concatenate3A {offsets = [0, 0, 0], sizes = [20, 256, 64], strides = [1, 1, 1]} : vector<20x258x64xf32> to vector<20x256x64xf32>
    %slice3A_14 = vector.extract_strided_slice %concatenate3A {offsets = [0, 1, 0], sizes = [20, 256, 64], strides = [1, 1, 1]} : vector<20x258x64xf32> to vector<20x256x64xf32>
    %slice3A_15 = vector.extract_strided_slice %concatenate3A {offsets = [0, 2, 0], sizes = [20, 256, 64], strides = [1, 1, 1]} : vector<20x258x64xf32> to vector<20x256x64xf32>
    %concatenate3A_16 = tpu.concatenate %slice3A_13, %slice3A_14, %slice3A_15 in 2 : vector<20x256x64xf32>, vector<20x256x64xf32>, vector<20x256x64xf32> -> vector<20x256x192xf32>
    %slice3A_17 = vector.extract_strided_slice %concatenate3A_16 {offsets = [0, 0, 0], sizes = [18, 256, 192], strides = [1, 1, 1]} : vector<20x256x192xf32> to vector<18x256x192xf32>
    %reshape3A_18 = vector.shape_cast %slice3A_17 : vector<18x256x192xf32> to vector<4608x192xf32>
    %get3A_19 = arith.constant 0 : index
    %get3A_20 = arith.constant 0 : index
    %get3A_21 = arith.constant 0 : index
    %get3A_22 = vector.load %arg3[%get3A_19, %get3A_20, %get3A_21] : memref<3x192x64xf32, #tpu.memory_space<vmem>>, vector<1x192x64xf32>
    %get3A_23 = vector.shape_cast %get3A_22 : vector<1x192x64xf32> to vector<192x64xf32>
    %dot_general3A = arith.constant dense<0.000000e+00> : vector<4608x64xf32>
    %dot_general3A_24 = tpu.matmul %reshape3A_18, %get3A_23, %dot_general3A {dimension_numbers = #tpu.dot_dimension_numbers<[1], [0], [0], [1], [0, 0, 1, 1], [], []>, transpose_lhs_hint = false} : vector<4608x192xf32>, vector<192x64xf32>, vector<4608x64xf32> -> vector<4608x64xf32>
    %slice3A_25 = vector.extract_strided_slice %concatenate3A_16 {offsets = [1, 0, 0], sizes = [18, 256, 192], strides = [1, 1, 1]} : vector<20x256x192xf32> to vector<18x256x192xf32>
    %reshape3A_26 = vector.shape_cast %slice3A_25 : vector<18x256x192xf32> to vector<4608x192xf32>
    %get3A_27 = arith.constant 1 : index
    %get3A_28 = arith.constant 0 : index
    %get3A_29 = arith.constant 0 : index
    %get3A_30 = vector.load %arg3[%get3A_27, %get3A_28, %get3A_29] : memref<3x192x64xf32, #tpu.memory_space<vmem>>, vector<1x192x64xf32>
    %get3A_31 = vector.shape_cast %get3A_30 : vector<1x192x64xf32> to vector<192x64xf32>
    %dot_general3A_32 = arith.constant dense<0.000000e+00> : vector<4608x64xf32>
    %dot_general3A_33 = tpu.matmul %reshape3A_26, %get3A_31, %dot_general3A_32 {dimension_numbers = #tpu.dot_dimension_numbers<[1], [0], [0], [1], [0, 0, 1, 1], [], []>, transpose_lhs_hint = false} : vector<4608x192xf32>, vector<192x64xf32>, vector<4608x64xf32> -> vector<4608x64xf32>
    %add3A = arith.addf %dot_general3A_24, %dot_general3A_33 : vector<4608x64xf32>
    %slice3A_34 = vector.extract_strided_slice %concatenate3A_16 {offsets = [2, 0, 0], sizes = [18, 256, 192], strides = [1, 1, 1]} : vector<20x256x192xf32> to vector<18x256x192xf32>
    %reshape3A_35 = vector.shape_cast %slice3A_34 : vector<18x256x192xf32> to vector<4608x192xf32>
    %get3A_36 = arith.constant 2 : index
    %get3A_37 = arith.constant 0 : index
    %get3A_38 = arith.constant 0 : index
    %get3A_39 = vector.load %arg3[%get3A_36, %get3A_37, %get3A_38] : memref<3x192x64xf32, #tpu.memory_space<vmem>>, vector<1x192x64xf32>
    %get3A_40 = vector.shape_cast %get3A_39 : vector<1x192x64xf32> to vector<192x64xf32>
    %dot_general3A_41 = arith.constant dense<0.000000e+00> : vector<4608x64xf32>
    %dot_general3A_42 = tpu.matmul %reshape3A_35, %get3A_40, %dot_general3A_41 {dimension_numbers = #tpu.dot_dimension_numbers<[1], [0], [0], [1], [0, 0, 1, 1], [], []>, transpose_lhs_hint = false} : vector<4608x192xf32>, vector<192x64xf32>, vector<4608x64xf32> -> vector<4608x64xf32>
    %add3A_43 = arith.addf %add3A, %dot_general3A_42 : vector<4608x64xf32>
    %get3A_44 = arith.constant 0 : index
    %get3A_45 = arith.constant 0 : index
    %get3A_46 = vector.load %arg4[%get3A_44, %get3A_45] : memref<1x64xf32, #tpu.memory_space<vmem>>, vector<1x64xf32>
    %add3A_47 = vector.broadcast %get3A_46 : vector<1x64xf32> to vector<4608x64xf32>
    %add3A_48 = arith.addf %add3A_43, %add3A_47 : vector<4608x64xf32>
    %max3A = arith.constant 0.000000e+00 : f32
    %max3A_49 = vector.broadcast %max3A : f32 to vector<4608x64xf32>
    %max3A_50 = arith.maximumf %add3A_48, %max3A_49 : vector<4608x64xf32>
    %reshape3A_51 = vector.shape_cast %max3A_50 : vector<4608x64xf32> to vector<18x256x64xf32>
    %iota3A = tpu.iota {dimensions = array<i32: 0>} : vector<18x1x1xi32>
    %eq3A = arith.constant 0 : i32
    %eq3A_52 = vector.broadcast %eq3A : i32 to vector<18x1x1xi32>
    %eq3A_53 = arith.cmpi eq, %iota3A, %eq3A_52 : vector<18x1x1xi32>
    %eq3A_54 = arith.constant 0 : i32
    %eq3A_55 = arith.cmpi eq, %arg1, %eq3A_54 : i32
    %and3A = vector.broadcast %eq3A_55 : i1 to vector<18x1x1xi1>
    %and3A_56 = arith.andi %eq3A_53, %and3A : vector<18x1x1xi1>
    %eq3A_57 = arith.constant 17 : i32
    %eq3A_58 = vector.broadcast %eq3A_57 : i32 to vector<18x1x1xi32>
    %eq3A_59 = arith.cmpi eq, %iota3A, %eq3A_58 : vector<18x1x1xi32>
    %eq3A_60 = arith.constant 15 : i32
    %eq3A_61 = arith.cmpi eq, %arg1, %eq3A_60 : i32
    %and3A_62 = vector.broadcast %eq3A_61 : i1 to vector<18x1x1xi1>
    %and3A_63 = arith.andi %eq3A_59, %and3A_62 : vector<18x1x1xi1>
    %or3A = arith.ori %and3A_56, %and3A_63 : vector<18x1x1xi1>
    %jit3A = arith.constant 0.000000e+00 : f32
    %broadcast_in_dim3A = vector.shape_cast %or3A : vector<18x1x1xi1> to vector<18x1x1xi1>
    %broadcast_in_dim3A_64 = vector.broadcast %broadcast_in_dim3A : vector<18x1x1xi1> to vector<18x256x64xi1>
    %broadcast_in_dim3A_65 = vector.broadcast %jit3A : f32 to vector<18x256x64xf32>
    %select_n3A = arith.select %broadcast_in_dim3A_64, %broadcast_in_dim3A_65, %reshape3A_51 : vector<18x256x64xi1>, vector<18x256x64xf32>
    %broadcast_in_dim3A_66 = arith.constant 0.000000e+00 : f32
    %broadcast_in_dim3A_67 = vector.broadcast %broadcast_in_dim3A_66 : f32 to vector<18x1x64xf32>
    %concatenate3A_68 = tpu.concatenate %broadcast_in_dim3A_67, %select_n3A, %broadcast_in_dim3A_67 in 1 : vector<18x1x64xf32>, vector<18x256x64xf32>, vector<18x1x64xf32> -> vector<18x258x64xf32>
    %slice3A_69 = vector.extract_strided_slice %concatenate3A_68 {offsets = [0, 0, 0], sizes = [18, 256, 64], strides = [1, 1, 1]} : vector<18x258x64xf32> to vector<18x256x64xf32>
    %slice3A_70 = vector.extract_strided_slice %concatenate3A_68 {offsets = [0, 1, 0], sizes = [18, 256, 64], strides = [1, 1, 1]} : vector<18x258x64xf32> to vector<18x256x64xf32>
    %slice3A_71 = vector.extract_strided_slice %concatenate3A_68 {offsets = [0, 2, 0], sizes = [18, 256, 64], strides = [1, 1, 1]} : vector<18x258x64xf32> to vector<18x256x64xf32>
    %concatenate3A_72 = tpu.concatenate %slice3A_69, %slice3A_70, %slice3A_71 in 2 : vector<18x256x64xf32>, vector<18x256x64xf32>, vector<18x256x64xf32> -> vector<18x256x192xf32>
    %slice3A_73 = vector.extract_strided_slice %concatenate3A_72 {offsets = [0, 0, 0], sizes = [16, 256, 192], strides = [1, 1, 1]} : vector<18x256x192xf32> to vector<16x256x192xf32>
    %reshape3A_74 = vector.shape_cast %slice3A_73 : vector<16x256x192xf32> to vector<4096x192xf32>
    %get3A_75 = arith.constant 0 : index
    %get3A_76 = arith.constant 0 : index
    %get3A_77 = arith.constant 0 : index
    %get3A_78 = vector.load %arg5[%get3A_75, %get3A_76, %get3A_77] : memref<3x192x8xf32, #tpu.memory_space<vmem>>, vector<1x192x8xf32>
    %get3A_79 = vector.shape_cast %get3A_78 : vector<1x192x8xf32> to vector<192x8xf32>
    %dot_general3A_80 = arith.constant dense<0.000000e+00> : vector<4096x8xf32>
    %dot_general3A_81 = tpu.matmul %reshape3A_74, %get3A_79, %dot_general3A_80 {dimension_numbers = #tpu.dot_dimension_numbers<[1], [0], [0], [1], [0, 0, 1, 1], [], []>, transpose_lhs_hint = false} : vector<4096x192xf32>, vector<192x8xf32>, vector<4096x8xf32> -> vector<4096x8xf32>
    %slice3A_82 = vector.extract_strided_slice %concatenate3A_72 {offsets = [1, 0, 0], sizes = [16, 256, 192], strides = [1, 1, 1]} : vector<18x256x192xf32> to vector<16x256x192xf32>
    %reshape3A_83 = vector.shape_cast %slice3A_82 : vector<16x256x192xf32> to vector<4096x192xf32>
    %get3A_84 = arith.constant 1 : index
    %get3A_85 = arith.constant 0 : index
    %get3A_86 = arith.constant 0 : index
    %get3A_87 = vector.load %arg5[%get3A_84, %get3A_85, %get3A_86] : memref<3x192x8xf32, #tpu.memory_space<vmem>>, vector<1x192x8xf32>
    %get3A_88 = vector.shape_cast %get3A_87 : vector<1x192x8xf32> to vector<192x8xf32>
    %dot_general3A_89 = arith.constant dense<0.000000e+00> : vector<4096x8xf32>
    %dot_general3A_90 = tpu.matmul %reshape3A_83, %get3A_88, %dot_general3A_89 {dimension_numbers = #tpu.dot_dimension_numbers<[1], [0], [0], [1], [0, 0, 1, 1], [], []>, transpose_lhs_hint = false} : vector<4096x192xf32>, vector<192x8xf32>, vector<4096x8xf32> -> vector<4096x8xf32>
    %add3A_91 = arith.addf %dot_general3A_81, %dot_general3A_90 : vector<4096x8xf32>
    %slice3A_92 = vector.extract_strided_slice %concatenate3A_72 {offsets = [2, 0, 0], sizes = [16, 256, 192], strides = [1, 1, 1]} : vector<18x256x192xf32> to vector<16x256x192xf32>
    %reshape3A_93 = vector.shape_cast %slice3A_92 : vector<16x256x192xf32> to vector<4096x192xf32>
    %get3A_94 = arith.constant 2 : index
    %get3A_95 = arith.constant 0 : index
    %get3A_96 = arith.constant 0 : index
    %get3A_97 = vector.load %arg5[%get3A_94, %get3A_95, %get3A_96] : memref<3x192x8xf32, #tpu.memory_space<vmem>>, vector<1x192x8xf32>
    %get3A_98 = vector.shape_cast %get3A_97 : vector<1x192x8xf32> to vector<192x8xf32>
    %dot_general3A_99 = arith.constant dense<0.000000e+00> : vector<4096x8xf32>
    %dot_general3A_100 = tpu.matmul %reshape3A_93, %get3A_98, %dot_general3A_99 {dimension_numbers = #tpu.dot_dimension_numbers<[1], [0], [0], [1], [0, 0, 1, 1], [], []>, transpose_lhs_hint = false} : vector<4096x192xf32>, vector<192x8xf32>, vector<4096x8xf32> -> vector<4096x8xf32>
    %add3A_101 = arith.addf %add3A_91, %dot_general3A_100 : vector<4096x8xf32>
    %get3A_102 = arith.constant 0 : index
    %get3A_103 = arith.constant 0 : index
    %get3A_104 = vector.load %arg6[%get3A_102, %get3A_103] : memref<1x8xf32, #tpu.memory_space<vmem>>, vector<1x8xf32>
    %add3A_105 = vector.broadcast %get3A_104 : vector<1x8xf32> to vector<4096x8xf32>
    %add3A_106 = arith.addf %add3A_101, %add3A_105 : vector<4096x8xf32>
    %reshape3A_107 = vector.shape_cast %add3A_106 : vector<4096x8xf32> to vector<1x16x256x8xf32>
    %swap3A = arith.constant 0 : index
    %swap3A_108 = arith.constant 0 : index
    %swap3A_109 = arith.constant 0 : index
    %swap3A_110 = arith.constant 0 : index
    %swap3A_111 = vector.load %arg7[%swap3A, %swap3A_108, %swap3A_109, %swap3A_110] : memref<1x16x256x8xf32, #tpu.memory_space<vmem>>, vector<1x16x256x8xf32>
    tpu.vector_store %arg7[%swap3A, %swap3A_108, %swap3A_109, %swap3A_110], %reshape3A_107 {strides = array<i32>} : memref<1x16x256x8xf32, #tpu.memory_space<vmem>>, vector<1x16x256x8xf32>,
    return
  }
  func.func @transform_0(%arg0: i32, %arg1: i32) -> (i32, i32, i32, i32) {
    %mul3A = arith.constant 8 : i32
    %mul3A_0 = arith.muli %arg1, %mul3A : i32
    %c0_i32 = arith.constant 0 : i32
    %c0_i32_1 = arith.constant 0 : i32
    %c0_i32_2 = arith.constant 0 : i32
    return %arg0, %mul3A_0, %c0_i32, %c0_i32_1 : i32, i32, i32, i32
  }
  func.func @transform_1(%arg0: i32, %arg1: i32) -> (i32, i32, i32) {
    %c0_i32 = arith.constant 0 : i32
    %c0_i32_0 = arith.constant 0 : i32
    %c0_i32_1 = arith.constant 0 : i32
    %c0_i32_2 = arith.constant 0 : i32
    return %c0_i32, %c0_i32_0, %c0_i32_1 : i32, i32, i32
  }
  func.func @transform_2(%arg0: i32, %arg1: i32) -> (i32, i32) {
    %c0_i32 = arith.constant 0 : i32
    %c0_i32_0 = arith.constant 0 : i32
    %c0_i32_1 = arith.constant 0 : i32
    return %c0_i32, %c0_i32_0 : i32, i32
  }
  func.func @transform_3(%arg0: i32, %arg1: i32) -> (i32, i32, i32) {
    %c0_i32 = arith.constant 0 : i32
    %c0_i32_0 = arith.constant 0 : i32
    %c0_i32_1 = arith.constant 0 : i32
    %c0_i32_2 = arith.constant 0 : i32
    return %c0_i32, %c0_i32_0, %c0_i32_1 : i32, i32, i32
  }
  func.func @transform_4(%arg0: i32, %arg1: i32) -> (i32, i32) {
    %c0_i32 = arith.constant 0 : i32
    %c0_i32_0 = arith.constant 0 : i32
    %c0_i32_1 = arith.constant 0 : i32
    return %c0_i32, %c0_i32_0 : i32, i32
  }
  func.func @transform_5(%arg0: i32, %arg1: i32) -> (i32, i32, i32, i32) {
    %c0_i32 = arith.constant 0 : i32
    %c0_i32_0 = arith.constant 0 : i32
    %c0_i32_1 = arith.constant 0 : i32
    return %arg0, %arg1, %c0_i32, %c0_i32_0 : i32, i32, i32, i32
  }
}

</mosaic_0001>

<sc_bundles>
// kernel: kernel.9.cloned.1.call-start
scs
__scs_entry_jumppad:
0x0: {  	(pc) =	sbr.rel $0x88, $3  }
0x1: {  	(tag) =	ssettag $0x0;
	lr =	simm.s32 $0x1  }
0x2: {  	[smem:$0x3F93] =	sst lr;
	_ =	strace $0xD0000000  }
0x3: {  	_ = 	snop  }
0x4: {  	_ = 	snop  }
0x5: {  	_ = 	snop  }
0x6: {  	_ = 	snop  }
0x7: {  	_ = 	snop  }
__scs_overlays_trampoline_lowered:
0x8: {  	[smem:$0x3FA2] =	sst s0  }
0x9: {  	[smem:$0x3FA3] =	sst s1  }
0xa: {  	[smem:$0x3FA4] =	sst s2  }
0xb: {  	[smem:$0x3FA5] =	sst s3  }
0xc: {  	[smem:$0x3FA6] =	sst s4  }
0xd: {  	[smem:$0x3FA7] =	sst s5  }
0xe: {  	[smem:$0x3FA8] =	sst s6  }
0xf: {  	[smem:$0x3FA9] =	sst s7  }
0x10: {  	[smem:$0x3FAA] =	sst s8  }
0x11: {  	[smem:$0x3FAB] =	sst s9;
	s0 =	simm.s32 @!p0 $0x0  }
0x12: {  	s1 =	sld [smem:$0x3F91];
	s0 =	simm.s32 @p0 $0x1  }
0x13: {  	[smem:$0x3FAC] =	sst s0;
	s0 =	simm.s32 @!p1 $0x0  }
0x14: {  	s2 =	sld [smem:$0x3F90];
	s0 =	simm.s32 @p1 $0x1  }
0x15: {  	[smem:$0x3FAD] =	sst s0;
	s0 =	simm.s32 @!p2 $0x0  }
0x16: {  	s3 =	sld [smem:$0x3FDB];
	s0 =	simm.s32 @p2 $0x1  }
0x17: {  	s4 =	simm.s32 $0x1BF5;
	[smem:$0x3FAF] =	sst s0  }
0x18: {  	s0 =	sld [smem:$0x3F92];
	_ =	swait.ge [sflag:s4], $0x0  }
0x19: {  	s7 =	sld [smem:$0x3F93]  }
0x1a: {  	s8 =	sadd.s32 $0xFFFFE003, lr  }
0x1b: {  	s9 =	sadd.s32 $0xFFFFFEF7, lr;
	s5 =	simm.s32 $0xFFFFFFFF;
	p2 =	slt.u32 s8, $0xFFFFF086  }
0x1c: {  	p1 =	slt.u32 s9, $0xF7A;
	s5 =	simm.s32 @!p2 $0x0  }
0x1d: {  	s5 =	simm.s32 @p1 $0x1;
	p0 =	seq.s32 s7, s2  }
0x1e: {  	s7 =	smul.u32 @!p0 $0xF7A, s2;
	p2 =	seq.s32 @!p0 s5, $0x0  }
0x1f: {  	s9 =	smul.u32 $0xF7A, s1;
	s8 =	simm.s32 @!p0 $0x1BF5;
	p2 =	por !p2, p0  }
0x20: {  	[sflag:s8] =	ssyncset.s32 @!p0 $0xFFFFF086;
	s6 =	sadd.s32 @!p0 s3, s7;
	s7 =	simm.s32 @!p0 $0x108  }
0x21: {  	s3 =	sadd.s32 s3, s9;
	s6 =	sadd.s32 @!p0 $0x88, s6;
	s7 =	simm.s32 @p2 $0x1082  }
0x22: {  	[simem:s7], [sflag:s8] =	dma.local @!p0 [hbm:s6], $0xF7A  }
0x23: {  	s9 =	sor.u32 $0xD0000000, s2;
	s6 =	simm.s32 $0x108;
	_ =	swait.ge @!p0 [sflag:s8], $0x0  }
0x24: {  	s3 =	sadd.s32 $0x88, s3;
	s6 =	simm.s32 @!p1 $0x1082;
	[sflag:s4] =	ssyncset.s32 $0xFFFFF086  }
0x25: {  	[simem:s6], [sflag:s4] =	dma.local [hbm:s3], $0xF7A  }
0x26: {  	[smem:$0x3F93] =	sst s1;
	(tag) =	ssettag s2;
	_ =	strace s9  }
0x27: {  	s1 =	sld [smem:$0x3FA3]  }
0x28: {  	s2 =	sld [smem:$0x3FA4]  }
0x29: {  	s4 =	sld [smem:$0x3FA6]  }
0x2a: {  	p0 =	seq.s32 s5, $0x0;
	s5 =	sld [smem:$0x3FA7]  }
0x2b: {  	s6 =	sld [smem:$0x3FA8]  }
0x2c: {  	s7 =	sld [smem:$0x3FA9]  }
0x2d: {  	s3 =	simm.s32 $0x108;
	s8 =	sld [smem:$0x3FAA]  }
0x2e: {  	s3 =	simm.s32 @!p0 $0x1082;
	s9 =	sld [smem:$0x3FAB]  }
0x2f: {  	lr =	sadd.s32 s0, s3;
	s0 =	sld [smem:$0x3FA2]  }
0x30: {  	s3 =	sld [smem:$0x3FA5]  }
0x31: {  	[smem:$0x3FAE] =	sst s10  }
0x32: {  	s10 =	sld [smem:$0x3FAC];
	_ =	sdelay $0x3  }
0x33: {  	p0 =	seq.s32 s10, $0x1;
	s10 =	sld [smem:$0x3FAE];
	_ =	sdelay $0x3  }
0x34: {  	[smem:$0x3FAE] =	sst s10  }
0x35: {  	s10 =	sld [smem:$0x3FAD];
	_ =	sdelay $0x3  }
0x36: {  	p1 =	seq.s32 s10, $0x1;
	s10 =	sld [smem:$0x3FAE];
	_ =	sdelay $0x3  }
0x37: {  	[smem:$0x3FAE] =	sst s10  }
0x38: {  	s10 =	sld [smem:$0x3FAF]  }
0x39: {  	_ = 	snop;
	(pc) =	sbr.ind lr, $3  }
0x3a: {  	_ = 	snop  }
0x3b: {  	_ = 	snop  }
0x3c: {  	p2 =	seq.s32 s10, $0x1;
	s10 =	sld [smem:$0x3FAE]  }
0x3d: {  	_ =	shalt  }
0x3e: {  	_ =	shalt  }
0x3f: {  	_ =	shalt  }
0x40: {  	_ =	shalt  }
0x41: {  	_ =	shalt  }
0x42: {  	_ =	shalt  }
0x43: {  	_ =	shalt  }
0x44: {  	_ =	shalt  }
0x45: {  	_ =	shalt  }
0x46: {  	_ =	shalt  }
0x47: {  	_ =	shalt  }
0x48: {  	_ =	shalt  }
0x49: {  	_ =	shalt  }
0x4a: {  	_ =	shalt  }
0x4b: {  	_ =	shalt  }
0x4c: {  	_ =	shalt  }
0x4d: {  	_ =	shalt  }
0x4e: {  	_ =	shalt  }
0x4f: {  	_ =	shalt  }
0x50: {  	_ =	shalt  }
0x51: {  	_ =	shalt  }
0x52: {  	_ =	shalt  }
0x53: {  	_ =	shalt  }
0x54: {  	_ =	shalt  }
0x55: {  	_ =	shalt  }
0x56: {  	_ =	shalt  }
0x57: {  	_ =	shalt  }
0x58: {  	_ =	shalt  }
0x59: {  	_ =	shalt  }
0x5a: {  	_ =	shalt  }
0x5b: {  	_ =	shalt  }
0x5c: {  	_ =	shalt  }
0x5d: {  	_ =	shalt  }
0x5e: {  	_ =	shalt  }
0x5f: {  	_ =	shalt  }
0x60: {  	_ =	shalt  }
0x61: {  	_ =	shalt  }
0x62: {  	_ =	shalt  }
0x63: {  	_ =	shalt  }
0x64: {  	_ =	shalt  }
0x65: {  	_ =	shalt  }
0x66: {  	_ =	shalt  }
0x67: {  	_ =	shalt  }
0x68: {  	_ =	shalt  }
0x69: {  	_ =	shalt  }
0x6a: {  	_ =	shalt  }
0x6b: {  	_ =	shalt  }
0x6c: {  	_ =	shalt  }
0x6d: {  	_ =	shalt  }
0x6e: {  	_ =	shalt  }
0x6f: {  	_ =	shalt  }
0x70: {  	_ =	shalt  }
0x71: {  	_ =	shalt  }
0x72: {  	_ =	shalt  }
0x73: {  	_ =	shalt  }
0x74: {  	_ =	shalt  }
0x75: {  	_ =	shalt  }
0x76: {  	_ =	shalt  }
0x77: {  	_ =	shalt  }
0x78: {  	_ =	shalt  }
0x79: {  	_ =	shalt  }
0x7a: {  	_ =	shalt  }
0x7b: {  	_ =	shalt  }
0x7c: {  	_ =	shalt  }
0x7d: {  	_ =	shalt  }
0x7e: {  	_ =	shalt  }
0x7f: {  	_ =	shalt  }
0x80: {  	_ =	shalt  }
0x81: {  	_ =	shalt  }
0x82: {  	_ =	shalt  }
0x83: {  	_ =	shalt  }
0x84: {  	_ =	shalt  }
0x85: {  	_ =	shalt  }
0x86: {  	_ =	shalt  }
0x87: {  	_ =	shalt  }
.Lfunc_end0:
.L_simem_size_0:
called_computation_lowered:
.L_overlay_start_0:
0x88: {  	s2 =	sld [smem:$0x3FD9]  }
0x89: {  	s3 =	sld [smem:$0x3FFE];
	_ =	sdelay $0x1  }
0x8a: {  	s1 =	srdreg.scid  }
0x8b: {  	s0 =	sand.u32 $0x1, s1  }
0x8c: {  	s17 =	sshll.u32 s0, $0xA;
	s2 =	sadd.s32 s3, s2  }
0x8d: {  	s2 =	sadd.s32 s2, s17  }
0x8e: {  	[smem:$0x3FBA] =	sst s2  }
0x8f: {  	_ = 	snop  }
0x90: {  	s2 =	sld [smem:$0x3FC8]  }
0x91: {  	s18 =	sld [smem:$0x3FD0];
	(tm) =	ssettm $0x1  }
0x92: {  	s4 =	sld [smem:$0x3FFB];
	_ =	sdelay $0x3  }
0x93: {  	_ =	strace s4  }
0x94: {  	s4 =	sld [smem:$0x3FFC];
	_ =	sdelay $0x3  }
0x95: {  	_ =	strace s4  }
0x96: {  	s4 =	sld [smem:$0x3FFD];
	_ =	sdelay $0x3  }
0x97: {  	_ =	strace s4  }
0x98: {  	_ =	strace $0x8FFFFFFF  }
0x99: {  	s19 =	sld [smem:$0x3FDB];
	_ =	sdelay $0x1  }
0x9a: {  	s5 =	simm.s32 $_scs_section_size  }
0x9b: {  	s6 =	simm.s32 $_size__tile_overlayer_lowered;
	s7 =	simm.s32 $_tile_overlayer_lowered  }
0x9c: {  	s22 =	simm.s32 $0x1BFF;
	s21 =	sshll.u32 s7, $0x1;
	s4 =	sadd.s32 s5, s19  }
0x9d: {  	s8 =	simm.s32 $0x0;
	s20 =	sshll.u32 s6, $0x1;
	s6 =	sadd.s32 s21, s4  }
0x9e: {  	[timem:s8], [sflag:s22] =	dma.local [hbm:s6], s20  }
0x9f: {  	_ =	swait.ge [sflag:s22], s20  }
0xa0: {  	s5 =	ssub.s32 $0x0, s20;
	[sflag:s22] =	ssyncset.done $0x0  }
0xa1: {  	[sflag:s22] =	ssyncadd.s32 s5;
	_ =	sdelay $0x1  }
0xa2: {  	s23 =	simm.s32 $0x1B8B  }
0xa3: {  	_ =	swait.ge [sflag:s23], $0x1  }
0xa4: {  	[sflag:s23] =	ssyncset.done $0x0  }
0xa5: {  	s25 =	simm.s32 $0x1B8E;
	s24 =	sld [smem:$0x3FFE];
	[sflag:s23] =	ssyncadd.s32 $0xFFFFFFFF  }
0xa6: {  	s26 =	simm.s32 $execute0_lowered;
	[smem:$0x3FD2] =	sst s25  }
0xa7: {  	s6 =	sshll.u32 s26, $0x1;
	_ =	strace $0x80000046;
	[dreg:$0x1] =	wrdreg $0xFFFFFFFF  }
0xa8: {  	s28 =	simm.s32 $_size_execute0_lowered;
	s4 =	sadd.s32 s4, s6;
	[dreg:$0x0] =	wrdreg $0x0  }
0xa9: {  	s6 =	sshll.u32 s28, $0x1;
	[dreg:$0x2] =	wrdreg s4  }
0xaa: {  	[dreg:$0x3] =	wrdreg s6  }
0xab: {  	[dreg:$0x4] =	wrdreg $0xC0  }
0xac: {  	_ =	task [dreg:s8], $0x5FFFF  }
0xad: {  	[dreg:$0x1] =	wrdreg $0xFFFFFFFF  }
0xae: {  	[dreg:$0x0] =	wrdreg $0x60  }
0xaf: {  	[dreg:$0x2] =	wrdreg s2  }
0xb0: {  	[dreg:$0x3] =	wrdreg s18  }
0xb1: {  	[dreg:$0x4] =	wrdreg s24  }
0xb2: {  	[dreg:$0x5] =	wrdreg $0x9  }
0xb3: {  	_ =	task.clear_ibuf [dreg:s8], $0x6FFFF;
	_ =	strace $0x90000046  }
0xb4: {  	s29 =	simm.s32 $0x9;
	_ =	strace $0x80000048  }
0xb5: {  	_ =	swait.ge [sflag:s29], $0x1  }
0xb6: {  	[sflag:s29] =	ssyncadd.s32 $0xFFFFFFFF  }
0xb7: {  	_ =	strace $0x90000048  }
0xb8: {  	_ =	sfence  }
0xb9: {  	s30 =	sld [smem:$0x0];
	_ =	sdelay $0x2  }
0xba: {  	s31 =	sshll.u32 s1, $0xD;
	s1 =	sshrl.u32 s1, $0x2  }
0xbb: {  	s3 =	sand.u32 $0x4000, s31;
	s1 =	sadd.s32 s1, s30  }
0xbc: {  	s0 =	sor.u32 s3, s0;
	s1 =	sshll.u32 s1, $0x11  }
0xbd: {  	s0 =	sor.u32 s1, s0  }
0xbe: {  	s0 =	sadd.s32 $0x8F2B, s0  }
0xbf: {  	[sflag:s0] =	ssyncadd.remote.s32 $0x1  }
0xc0: {  	_ =	sfence.sel $0xFFFF  }
0xc1: {  	[dreg:$0x0] =	wrdreg $0xFFFFFFFF;
	(pc) =	sbr.abs _section_cstart, $3  }
0xc2: {  	[dreg:$0x1] =	wrdreg $0xFFFFFFFF  }
0xc3: {  	_ =	task.clear_ibuf [dreg:s8], $0x2FFFF;
	_ =	strace $0x9FFFFFFF  }
0xc4: {  	(tm) =	ssettm $0x7FFFFFFF  }
0xc5: {  	_ =	shalt  }
tec
execute0_lowered:
.L_overlay_start_1:
0x0: {  	(tag) =	ssettag $0x1  }
0x1: {  	s1 =	rddreg [dreg:$0x0]  }
0x2: {  	s4 =	rddreg [dreg:$0x1]  }
0x3: {  	s5 =	rddreg [dreg:$0x2]  }
0x4: {  	s0 =	rddreg [dreg:$0x3];
	s6 =	srdreg.scid  }
0x5: {  	s3 =	simm.s32 $0x0;
	s2 =	stileid.u32;
	s10 =	simm.s32 $0x1080  }
0x6: {  	s11 =	simm.s32 $0x1880;
	s12 =	simm.s32 $0x2080;
	s13 =	simm.s32 $0x2880  }
0x7: {  	s14 =	simm.s32 $0x3080;
	s15 =	simm.s32 $0x3880;
	s6 =	sand.u32 $0x1, s6  }
0x8: {  	s16 =	simm.s32 $0x1;
	s7 =	sshll.u32 s2, $0x7;
	s8 =	sshll.u32 s6, $0x6  }
0x9: {  	[smem:$0x7FF] =	sst s3;
	s6 =	ssub.s32 $0x2, s6;
	s7 =	sor.u32 s8, s7  }
0xa: {  	_ =	strace $0x80000047;
	s9 =	sshrl.u32 s6, $0x1;
	s8 =	sshll.u32 s7, $0x5  }
0xb: {  	v2 =	vlaneseq.u32;
	s7 =	sshrl.u32 s7, $0x3;
	s6 =	ssub.s32 s6, s9;
	s9 =	simm.s32 $0x880  }
0xc: {  	vm0 =	vmmov $0xffff;
	v1 =	vshrl.u32 v2, $0x3;
	s5 =	sadd.s32 s8, s5;
	s4 =	sadd.s32 s4, s7;
	s6 =	smax.u32 s6, $0x1  }
0xd: {  	v0 =	vand.u32 $0x7, v2;
	v2 =	vor.u32 $0x8, v2;
	v1 =	vmul.u32 $0x8, v1;
	s7 =	simm.s32 $0x2;
	s8 =	simm.s32 $0x80;
	s5 =	sadd.s32 $0x1E00, s5  }
.LBB2_1:
0xe: {  	[tilespmem:s3], [sflag:$0x2] =	stream.linear.gather [hbm4b:s4+s3], $0x40, $0x38;
	[tilespmem:$0x4080] =	vst v63  }
0xf: {  	_ =	swait.ge [sflag:s7], $0x40  }
0x10: {  	[sflag:s7] =	ssyncset.done $0x0  }
0x11: {  	[sflag:s7] =	ssyncadd.s32 $0xFFFFFFC0  }
0x12: {  	v3 =	vld [tilespmem:$0x0];
	_ =	sdelay $0x4  }
0x13: {  	v4 =	vshll.u32 v3, $0x1  }
0x14: {  	v3 =	vand.u32 $0x7, v3;
	v4 =	vand.u32 $0xFFFFFFF0, v4  }
0x15: {  	v3 =	vor.u32 v3, v4  }
0x16: {  	v4 =	vperm.xlane v3, v0;
	_ =	sdelay $0x1  }
0x17: {  	v3 =	vperm.xlane v3, v2;
	v4 =	vadd.s32 v1, v4;
	_ =	sdelay $0x1  }
0x18: {  	v3 =	vadd.s32 v1, v3;
	_ =	sdelay $0x2  }
0x19: {  	[tilespmem:s8], [sflag:$0x1] =	stream.indirect_vreg.gather [hbm4b:s1+s3], $0x80, v4, vm0, $0xb8;
	[tilespmem:$0x4080] =	vst v63  }
0x1a: {  	_ = 	snop  }
0x1b: {  	[tilespmem:s9], [sflag:$0x1] =	stream.indirect_vreg.gather [hbm4b:s1+s3], $0x80, v3, vm0, $0xb8;
	[tilespmem:$0x4080] =	vst v63  }
0x1c: {  	v3 =	vld [tilespmem:$0x10];
	_ =	sdelay $0x4  }
0x1d: {  	v61 =	vshll.u32 v3, $0x1  }
0x1e: {  	v3 =	vand.u32 $0x7, v3;
	v4 =	vand.u32 $0xFFFFFFF0, v61  }
0x1f: {  	v3 =	vor.u32 v3, v4  }
0x20: {  	v4 =	vperm.xlane v3, v0;
	_ =	sdelay $0x1  }
0x21: {  	v3 =	vperm.xlane v3, v2;
	v4 =	vadd.s32 v1, v4;
	_ =	sdelay $0x1  }
0x22: {  	v3 =	vadd.s32 v1, v3;
	_ =	sdelay $0x2  }
0x23: {  	[tilespmem:s10], [sflag:$0x1] =	stream.indirect_vreg.gather [hbm4b:s1+s3], $0x80, v4, vm0, $0xb8;
	[tilespmem:$0x4080] =	vst v63  }
0x24: {  	_ = 	snop  }
0x25: {  	[tilespmem:s11], [sflag:$0x1] =	stream.indirect_vreg.gather [hbm4b:s1+s3], $0x80, v3, vm0, $0xb8;
	[tilespmem:$0x4080] =	vst v63  }
0x26: {  	v3 =	vld [tilespmem:$0x20];
	_ =	sdelay $0x4  }
0x27: {  	v62 =	vshll.u32 v3, $0x1  }
0x28: {  	v3 =	vand.u32 $0x7, v3;
	v4 =	vand.u32 $0xFFFFFFF0, v62  }
0x29: {  	v3 =	vor.u32 v3, v4  }
0x2a: {  	v4 =	vperm.xlane v3, v0;
	_ =	sdelay $0x1  }
0x2b: {  	v3 =	vperm.xlane v3, v2;
	v4 =	vadd.s32 v1, v4;
	_ =	sdelay $0x1  }
0x2c: {  	v3 =	vadd.s32 v1, v3;
	_ =	sdelay $0x2  }
0x2d: {  	[tilespmem:s12], [sflag:$0x1] =	stream.indirect_vreg.gather [hbm4b:s1+s3], $0x80, v4, vm0, $0xb8;
	[tilespmem:$0x4080] =	vst v63  }
0x2e: {  	_ = 	snop  }
0x2f: {  	[tilespmem:s13], [sflag:$0x1] =	stream.indirect_vreg.gather [hbm4b:s1+s3], $0x80, v3, vm0, $0xb8;
	[tilespmem:$0x4080] =	vst v63  }
0x30: {  	v3 =	vld [tilespmem:$0x30];
	_ =	sdelay $0x4  }
0x31: {  	v63 =	vshll.u32 v3, $0x1  }
0x32: {  	v3 =	vand.u32 $0x7, v3;
	v4 =	vand.u32 $0xFFFFFFF0, v63  }
0x33: {  	v3 =	vor.u32 v3, v4  }
0x34: {  	v4 =	vperm.xlane v3, v0;
	_ =	sdelay $0x1  }
0x35: {  	v3 =	vperm.xlane v3, v2;
	v4 =	vadd.s32 v1, v4;
	_ =	sdelay $0x1  }
0x36: {  	v3 =	vadd.s32 v1, v3;
	_ =	sdelay $0x2  }
0x37: {  	[tilespmem:s14], [sflag:$0x1] =	stream.indirect_vreg.gather [hbm4b:s1+s3], $0x80, v4, vm0, $0xb8;
	[tilespmem:$0x4080] =	vst v63  }
0x38: {  	_ = 	snop  }
0x39: {  	[tilespmem:s15], [sflag:$0x1] =	stream.indirect_vreg.gather [hbm4b:s1+s3], $0x80, v3, vm0, $0xb8;
	[tilespmem:$0x4080] =	vst v63  }
0x3a: {  	_ =	swait.ge [sflag:s16], $0x4000  }
0x3b: {  	p0 =	sne.s32 s6, $0x1;
	[sflag:s16] =	ssyncset.done $0x0  }
.Ltmp0:
0x3c: {  	[sflag:s16] =	ssyncadd.s32 $0xFFFFC000;
	(pc) =	sbr.rel @p0 .LBB2_1-.Ltmp0, $4  }
0x3d: {  	[hbm4b:s5+s3] =	stream.linear.scatter [tilespmem:s8], [sflag:$0x2], $0x4000, $0x38;
	[tilespmem:$0x4080] =	vst v63  }
0x3e: {  	_ =	swait.ge [sflag:s7], $0x4000  }
0x3f: {  	[sflag:s7] =	ssyncset.done $0x0  }
0x40: {  	s6 =	sadd.s32 $0xFFFFFFFF, s6;
	[sflag:s7] =	ssyncadd.s32 $0xFFFFC000  }
0x41: {  	_ =	sfence.sel $0x180000  }
0x42: {  	[bflag:$0x0] =	sbarrier.arrive $0xFFFF  }
0x43: {  	p0 =	sne.s32 s2, $0x0;
	_ =	strace $0x90000047  }
0x44: {  	s0 =	sadd.s32 @!p0 $0x100000, s0;
	[bflag:$0x2] =	sbarrier.arrive $0xFFFF  }
0x45: {  	[sflag:s0] =	ssyncadd.tile.s32 @!p0 $0x1;
	_ =	shalt  }
.Lfunc_end2:
_tile_overlayer_lowered:
.L_overlay_start_2:
0x46: {  	(tag) =	ssettag $0x2  }
0x47: {  	s0 =	rddreg [dreg:$0x0];
	s2 =	stileid.u32  }
0x48: {  	s1 =	rddreg [dreg:$0x1];
	p0 =	sne.s32 s2, $0x0  }
0x49: {  	s3 =	rddreg [dreg:$0x2];
	[bflag:$0x3] =	sbarrier.arrive $0xFFFF;
	s2 =	simm.s32 @!p0 $0x1C02  }
0x4a: {  	[timem:s3], [sflag:s2] =	dma.local @!p0 [hbm:s0], s1  }
0x4b: {  	s0 =	simm.s32 @!p0 $0x2  }
0x4c: {  	_ =	swait.ge @!p0 [sflag:s0], s1  }
0x4d: {  	s1 =	ssub.s32 @!p0 $0x0, s1;
	[sflag:s0] =	ssyncset.done @!p0 $0x0  }
0x4e: {  	[sflag:s0] =	ssyncadd.s32 @!p0 s1  }
0x4f: {  	[bflag:$0x3] =	sbarrier.arrive $0xFFFF  }
0x50: {  	_ =	shalt  }

</sc_bundles>
